<compile_context>
chip_gen: v7x
topology: tpu7x:2x2x1
jax: 0.10.2.dev20260603
libtpu: 0.0.44.dev20260713+nightly
codegen_flags: <defaults>
</compile_context>

<pallas_src>
import jax
import jax.numpy as jnp
from jax import lax
from jax.experimental import pallas as pl
from jax.experimental.pallas import tpu as pltpu
from jax.experimental.pallas import tpu_sc as plsc

BATCH = 16384
HIST = 50
EMBED_DIM = 32
NUM_FLAT = BATCH * HIST

_info = plsc.get_sparse_core_info()
_NC, _NS = _info.num_cores, _info.num_subcores
_NW = _NC * _NS
_B_PER_W = NUM_FLAT // _NW
_CHUNK = 800
_NSLOT = 4
_LOOK = 2
_NCHUNK = _B_PER_W // _CHUNK
_NGRP = _NCHUNK // _NSLOT


def _gather_body(idx_hbm, table_hbm, out_hbm, idx_v, rows_v, gsem, wsem):
    wid = lax.axis_index("s") * _NC + lax.axis_index("c")
    base = wid * _B_PER_W

    def fire(c, s):
        pltpu.sync_copy(idx_hbm.at[pl.ds(base + c * _CHUNK, _CHUNK)],
                        idx_v.at[s])
        pltpu.async_copy(table_hbm.at[idx_v.at[s]], rows_v.at[s], gsem.at[s])

    def wait_gather(s):
        pltpu.make_async_copy(table_hbm.at[idx_v.at[s]], rows_v.at[s],
                              gsem.at[s]).wait()

    def start_wb(c, s):
        pltpu.async_copy(rows_v.at[s],
                         out_hbm.at[pl.ds(base + c * _CHUNK, _CHUNK)],
                         wsem.at[s])

    def wait_wb(c, s):
        pltpu.make_async_copy(rows_v.at[s],
                              out_hbm.at[pl.ds(base + c * _CHUNK, _CHUNK)],
                              wsem.at[s]).wait()

    for c in range(_LOOK):
        fire(c, c)

    def group(j, carry):
        c0 = j * _NSLOT
        for b in range(_NSLOT):
            c = c0 + b
            wait_gather(b)
            start_wb(c, b)
            d = c + _LOOK
            sd = (b + _LOOK) % _NSLOT

            @pl.when(c >= _LOOK)
            def _free():
                wait_wb(c - _LOOK, sd)

            @pl.when(d < _NCHUNK)
            def _refill():
                fire(d, sd)

        return carry

    lax.fori_loop(0, _NGRP, group, 0)

    for k in range(_LOOK):
        c = _NCHUNK - _LOOK + k
        wait_wb(c, c % _NSLOT)


@jax.jit
def _gather(idx_flat, table):
    mesh = plsc.VectorSubcoreMesh(core_axis_name="c", subcore_axis_name="s")
    return pl.kernel(
        _gather_body,
        out_type=jax.ShapeDtypeStruct((NUM_FLAT, EMBED_DIM), jnp.float32),
        mesh=mesh,
        scratch_types=[
            pltpu.VMEM((_NSLOT, _CHUNK), jnp.int32),
            pltpu.VMEM((_NSLOT, _CHUNK, EMBED_DIM), jnp.float32),
            pltpu.SemaphoreType.DMA((_NSLOT,)),
            pltpu.SemaphoreType.DMA((_NSLOT,)),
        ],
        compiler_params=pltpu.CompilerParams(use_tc_tiling_on_sc=False),
    )(idx_flat, table)


def kernel(idx, table):
    idx_flat = idx.reshape(NUM_FLAT).astype(jnp.int32)
    out = _gather(idx_flat, table)
    return out.reshape(BATCH, HIST, EMBED_DIM)

# --- scband reference (transcript-rebuilt; emitter-appended) ---
"""Pipeline reference for scband-generic-embeddings-55301998903787 (READ-ONLY COPY).

The authoritative reference and input builder live on the scoring server;
editing this copy changes nothing except your own understanding.
"""

import jax, jax.numpy as jnp
import numpy as np

NUM_ITEMS = 1000000
EMBED_DIM = 32
BATCH = 16384
HIST = 50

def setup_inputs(seed: int = 0) -> dict:
    key = jax.random.key(seed)
    k_idx, k_tab = jax.random.split(key)
    idx = jax.random.randint(k_idx, (BATCH, HIST), 0, NUM_ITEMS, dtype=jnp.int64 if jax.config.jax_enable_x64 else jnp.int32)
    table = jax.random.normal(k_tab, (NUM_ITEMS, EMBED_DIM), dtype=jnp.float32)
    return {"idx": idx, "table": table}

def reference(idx, table):
    # nn.Embedding forward: gather rows of the table by index
    embed = jnp.take(table, idx, axis=0)
    return embed

if __name__ == "__main__":
    import jax
    _d = setup_inputs()
    print(jax.jit(kernel)(*tuple(_d.values())))

</pallas_src>

<mosaic_0001>
#map = affine_map<(d0, d1) -> (0)>
#map1 = affine_map<(d0, d1) -> (0, 0)>
module attributes {stable_mosaic.version = 14 : i64} {
  func.func @_gather_body(%arg0: i32, %arg1: i32, %arg2: memref<819200xi32, #tpu.memory_space<hbm>>, %arg3: memref<1000000x32xf32, #tpu.memory_space<hbm>>, %arg4: memref<819200x32xf32, #tpu.memory_space<hbm>>, %arg5: memref<4x800xi32, #tpu.memory_space<vmem>>, %arg6: memref<4x800x32xf32, #tpu.memory_space<vmem>>, %arg7: memref<4x!tpu.dma_semaphore, #tpu.memory_space<semaphore_mem>>, %arg8: memref<4x!tpu.dma_semaphore, #tpu.memory_space<semaphore_mem>>) attributes {dimension_semantics = [#tpu.dimension_semantics<core_parallel>, #tpu.dimension_semantics<subcore_parallel>], iteration_bounds = array<i64: 2, 16>, scalar_prefetch = 0 : i64, scratch_operands = 4 : i64, tpu.core_type = #tpu.core_type<sc_vector_subcore>, window_params = [{transform_indices = #map}, {transform_indices = #map1}, {transform_indices = #map1}]} {
    %mul3A = arith.constant 2 : i32
    %mul3A_0 = arith.muli %arg1, %mul3A : i32
    %add3A = arith.addi %mul3A_0, %arg0 : i32
    %mul3A_1 = arith.constant 25600 : i32
    %mul3A_2 = arith.muli %add3A, %mul3A_1 : i32
    %add3A_3 = arith.constant 0 : i32
    %add3A_4 = arith.addi %mul3A_2, %add3A_3 : i32
    %run_scoped3A = arith.constant 0 : i32
    "tpu.region"() ({
      %run_scoped3A_77 = tpu.sem_alloc : memref<!tpu.dma_semaphore, #tpu.memory_space<semaphore_mem>>
      %dma_start3A_78 = arith.constant 0 : i32
      %dma_start3A_79 = tpu.memref_slice %arg5[%run_scoped3A, %dma_start3A_78] : memref<4x800xi32, #tpu.memory_space<vmem>> -> memref<1x800xi32, #tpu.memory_space<vmem>>
      %dma_start3A_80 = tpu.memref_squeeze %dma_start3A_79 : memref<1x800xi32, #tpu.memory_space<vmem>> -> memref<800xi32, #tpu.memory_space<vmem>>
      %dma_start3A_81 = tpu.memref_slice %arg2[%add3A_4] : memref<819200xi32, #tpu.memory_space<hbm>> -> memref<800xi32, #tpu.memory_space<hbm>>
      %dma_start3A_82 = arith.constant 0 : i32
      %dma_start3A_83 = tpu.memref_slice %arg5[%run_scoped3A, %dma_start3A_82] : memref<4x800xi32, #tpu.memory_space<vmem>> -> memref<1x800xi32, #tpu.memory_space<vmem>>
      %dma_start3A_84 = tpu.memref_squeeze %dma_start3A_83 : memref<1x800xi32, #tpu.memory_space<vmem>> -> memref<800xi32, #tpu.memory_space<vmem>>
      %dma_start3A_85 = tpu.memref_slice %arg2[%add3A_4] : memref<819200xi32, #tpu.memory_space<hbm>> -> memref<800xi32, #tpu.memory_space<hbm>>
      tpu.enqueue_dma source(%dma_start3A_85 : memref<800xi32, #tpu.memory_space<hbm>>) target(%dma_start3A_84 : memref<800xi32, #tpu.memory_space<vmem>>) target_semaphore(%run_scoped3A_77 : memref<!tpu.dma_semaphore, #tpu.memory_space<semaphore_mem>>)
      %dma_wait3A_86 = arith.constant 0 : i32
      %dma_wait3A_87 = tpu.memref_slice %arg5[%run_scoped3A, %dma_wait3A_86] : memref<4x800xi32, #tpu.memory_space<vmem>> -> memref<1x800xi32, #tpu.memory_space<vmem>>
      %dma_wait3A_88 = tpu.memref_squeeze %dma_wait3A_87 : memref<1x800xi32, #tpu.memory_space<vmem>> -> memref<800xi32, #tpu.memory_space<vmem>>
      %dma_wait3A_89 = tpu.memref_slice %arg2[%add3A_4] : memref<819200xi32, #tpu.memory_space<hbm>> -> memref<800xi32, #tpu.memory_space<hbm>>
      %dma_wait3A_90 = arith.constant 0 : i32
      %dma_wait3A_91 = tpu.memref_slice %arg5[%run_scoped3A, %dma_wait3A_90] : memref<4x800xi32, #tpu.memory_space<vmem>> -> memref<1x800xi32, #tpu.memory_space<vmem>>
      %dma_wait3A_92 = tpu.memref_squeeze %dma_wait3A_91 : memref<1x800xi32, #tpu.memory_space<vmem>> -> memref<800xi32, #tpu.memory_space<vmem>>
      %dma_wait3A_93 = tpu.memref_slice %arg2[%add3A_4] : memref<819200xi32, #tpu.memory_space<hbm>> -> memref<800xi32, #tpu.memory_space<hbm>>
      tpu.wait_dma2 semaphore(%run_scoped3A_77 : memref<!tpu.dma_semaphore, #tpu.memory_space<semaphore_mem>>) src(%dma_wait3A_93 : memref<800xi32, #tpu.memory_space<hbm>>) dst(%dma_wait3A_92 : memref<800xi32, #tpu.memory_space<vmem>>)
      tpu.yield
    }) : () -> ()
    %dma_start3A = arith.constant 0 : i32
    %dma_start3A_5 = arith.constant 0 : i32
    %dma_start3A_6 = arith.constant 0 : i32
    %dma_start3A_7 = arith.constant 0 : i32
    %dma_start3A_8 = arith.constant 0 : i32
    %dma_start3A_9 = tpu.memref_slice %arg6[%dma_start3A_5, %dma_start3A_7, %dma_start3A_8] : memref<4x800x32xf32, #tpu.memory_space<vmem>> -> memref<1x800x32xf32, #tpu.memory_space<vmem>>
    %dma_start3A_10 = tpu.memref_squeeze %dma_start3A_9 : memref<1x800x32xf32, #tpu.memory_space<vmem>> -> memref<800x32xf32, #tpu.memory_space<vmem>>
    %dma_start3A_11 = arith.constant 0 : i32
    %dma_start3A_12 = tpu.memref_slice %arg5[%dma_start3A, %dma_start3A_11] : memref<4x800xi32, #tpu.memory_space<vmem>> -> memref<1x800xi32, #tpu.memory_space<vmem>>
    %dma_start3A_13 = tpu.memref_squeeze %dma_start3A_12 : memref<1x800xi32, #tpu.memory_space<vmem>> -> memref<800xi32, #tpu.memory_space<vmem>>
    %dma_start3A_14 = arith.constant 0 : i32
    %dma_start3A_15 = arith.constant 0 : i32
    %dma_start3A_16 = tpu.memref_slice %arg3[%dma_start3A_14, %dma_start3A_15] : memref<1000000x32xf32, #tpu.memory_space<hbm>> -> memref<1000000x32xf32, #tpu.memory_space<hbm>>
    %dma_start3A_17 = tpu.memref_slice %arg7[%dma_start3A_6] : memref<4x!tpu.dma_semaphore, #tpu.memory_space<semaphore_mem>> -> memref<1x!tpu.dma_semaphore, #tpu.memory_space<semaphore_mem>>
    %dma_start3A_18 = tpu.memref_squeeze %dma_start3A_17 : memref<1x!tpu.dma_semaphore, #tpu.memory_space<semaphore_mem>> -> memref<!tpu.dma_semaphore, #tpu.memory_space<semaphore_mem>>
    tpu.enqueue_indirect_dma source(%dma_start3A_16 : memref<1000000x32xf32, #tpu.memory_space<hbm>>) target(%dma_start3A_10 : memref<800x32xf32, #tpu.memory_space<vmem>>) offsets(%dma_start3A_13 : memref<800xi32, #tpu.memory_space<vmem>>) semaphore(%dma_start3A_18 : memref<!tpu.dma_semaphore, #tpu.memory_space<semaphore_mem>>)
    %add3A_19 = arith.constant 800 : i32
    %add3A_20 = arith.addi %mul3A_2, %add3A_19 : i32
    %run_scoped3A_21 = arith.constant 1 : i32
    "tpu.region"() ({
      %run_scoped3A_77 = tpu.sem_alloc : memref<!tpu.dma_semaphore, #tpu.memory_space<semaphore_mem>>
      %dma_start3A_78 = arith.constant 0 : i32
      %dma_start3A_79 = tpu.memref_slice %arg5[%run_scoped3A_21, %dma_start3A_78] : memref<4x800xi32, #tpu.memory_space<vmem>> -> memref<1x800xi32, #tpu.memory_space<vmem>>
      %dma_start3A_80 = tpu.memref_squeeze %dma_start3A_79 : memref<1x800xi32, #tpu.memory_space<vmem>> -> memref<800xi32, #tpu.memory_space<vmem>>
      %dma_start3A_81 = tpu.memref_slice %arg2[%add3A_20] : memref<819200xi32, #tpu.memory_space<hbm>> -> memref<800xi32, #tpu.memory_space<hbm>>
      %dma_start3A_82 = arith.constant 0 : i32
      %dma_start3A_83 = tpu.memref_slice %arg5[%run_scoped3A_21, %dma_start3A_82] : memref<4x800xi32, #tpu.memory_space<vmem>> -> memref<1x800xi32, #tpu.memory_space<vmem>>
      %dma_start3A_84 = tpu.memref_squeeze %dma_start3A_83 : memref<1x800xi32, #tpu.memory_space<vmem>> -> memref<800xi32, #tpu.memory_space<vmem>>
      %dma_start3A_85 = tpu.memref_slice %arg2[%add3A_20] : memref<819200xi32, #tpu.memory_space<hbm>> -> memref<800xi32, #tpu.memory_space<hbm>>
      tpu.enqueue_dma source(%dma_start3A_85 : memref<800xi32, #tpu.memory_space<hbm>>) target(%dma_start3A_84 : memref<800xi32, #tpu.memory_space<vmem>>) target_semaphore(%run_scoped3A_77 : memref<!tpu.dma_semaphore, #tpu.memory_space<semaphore_mem>>)
      %dma_wait3A_86 = arith.constant 0 : i32
      %dma_wait3A_87 = tpu.memref_slice %arg5[%run_scoped3A_21, %dma_wait3A_86] : memref<4x800xi32, #tpu.memory_space<vmem>> -> memref<1x800xi32, #tpu.memory_space<vmem>>
      %dma_wait3A_88 = tpu.memref_squeeze %dma_wait3A_87 : memref<1x800xi32, #tpu.memory_space<vmem>> -> memref<800xi32, #tpu.memory_space<vmem>>
      %dma_wait3A_89 = tpu.memref_slice %arg2[%add3A_20] : memref<819200xi32, #tpu.memory_space<hbm>> -> memref<800xi32, #tpu.memory_space<hbm>>
      %dma_wait3A_90 = arith.constant 0 : i32
      %dma_wait3A_91 = tpu.memref_slice %arg5[%run_scoped3A_21, %dma_wait3A_90] : memref<4x800xi32, #tpu.memory_space<vmem>> -> memref<1x800xi32, #tpu.memory_space<vmem>>
      %dma_wait3A_92 = tpu.memref_squeeze %dma_wait3A_91 : memref<1x800xi32, #tpu.memory_space<vmem>> -> memref<800xi32, #tpu.memory_space<vmem>>
      %dma_wait3A_93 = tpu.memref_slice %arg2[%add3A_20] : memref<819200xi32, #tpu.memory_space<hbm>> -> memref<800xi32, #tpu.memory_space<hbm>>
      tpu.wait_dma2 semaphore(%run_scoped3A_77 : memref<!tpu.dma_semaphore, #tpu.memory_space<semaphore_mem>>) src(%dma_wait3A_93 : memref<800xi32, #tpu.memory_space<hbm>>) dst(%dma_wait3A_92 : memref<800xi32, #tpu.memory_space<vmem>>)
      tpu.yield
    }) : () -> ()
    %dma_start3A_22 = arith.constant 1 : i32
    %dma_start3A_23 = arith.constant 1 : i32
    %dma_start3A_24 = arith.constant 1 : i32
    %dma_start3A_25 = arith.constant 0 : i32
    %dma_start3A_26 = arith.constant 0 : i32
    %dma_start3A_27 = tpu.memref_slice %arg6[%dma_start3A_23, %dma_start3A_25, %dma_start3A_26] : memref<4x800x32xf32, #tpu.memory_space<vmem>> -> memref<1x800x32xf32, #tpu.memory_space<vmem>>
    %dma_start3A_28 = tpu.memref_squeeze %dma_start3A_27 : memref<1x800x32xf32, #tpu.memory_space<vmem>> -> memref<800x32xf32, #tpu.memory_space<vmem>>
    %dma_start3A_29 = arith.constant 0 : i32
    %dma_start3A_30 = tpu.memref_slice %arg5[%dma_start3A_22, %dma_start3A_29] : memref<4x800xi32, #tpu.memory_space<vmem>> -> memref<1x800xi32, #tpu.memory_space<vmem>>
    %dma_start3A_31 = tpu.memref_squeeze %dma_start3A_30 : memref<1x800xi32, #tpu.memory_space<vmem>> -> memref<800xi32, #tpu.memory_space<vmem>>
    %dma_start3A_32 = arith.constant 0 : i32
    %dma_start3A_33 = arith.constant 0 : i32
    %dma_start3A_34 = tpu.memref_slice %arg3[%dma_start3A_32, %dma_start3A_33] : memref<1000000x32xf32, #tpu.memory_space<hbm>> -> memref<1000000x32xf32, #tpu.memory_space<hbm>>
    %dma_start3A_35 = tpu.memref_slice %arg7[%dma_start3A_24] : memref<4x!tpu.dma_semaphore, #tpu.memory_space<semaphore_mem>> -> memref<1x!tpu.dma_semaphore, #tpu.memory_space<semaphore_mem>>
    %dma_start3A_36 = tpu.memref_squeeze %dma_start3A_35 : memref<1x!tpu.dma_semaphore, #tpu.memory_space<semaphore_mem>> -> memref<!tpu.dma_semaphore, #tpu.memory_space<semaphore_mem>>
    tpu.enqueue_indirect_dma source(%dma_start3A_34 : memref<1000000x32xf32, #tpu.memory_space<hbm>>) target(%dma_start3A_28 : memref<800x32xf32, #tpu.memory_space<vmem>>) offsets(%dma_start3A_31 : memref<800xi32, #tpu.memory_space<vmem>>) semaphore(%dma_start3A_36 : memref<!tpu.dma_semaphore, #tpu.memory_space<semaphore_mem>>)
    %scan3A = arith.constant 0 : i32
    %scan3A_37 = arith.constant 0 : i32
    %scan3A_38 = arith.constant 8 : i32
    %scan3A_39 = arith.addi %scan3A_37, %scan3A_38 : i32
    %scan3A_40 = arith.constant 1 : i32
    scf.for %scan3A_77 = %scan3A_37 to %scan3A_39 step %scan3A_40  : i32 {
      %mul3A_78 = arith.constant 4 : i32
      %mul3A_79 = arith.muli %scan3A_77, %mul3A_78 : i32
      %add3A_80 = arith.constant 0 : i32
      %add3A_81 = arith.addi %mul3A_79, %add3A_80 : i32
      %dma_wait3A_82 = arith.constant 0 : i32
      %dma_wait3A_83 = arith.constant 0 : i32
      %dma_wait3A_84 = arith.constant 0 : i32
      %dma_wait3A_85 = arith.constant 0 : i32
      %dma_wait3A_86 = arith.constant 0 : i32
      %dma_wait3A_87 = tpu.memref_slice %arg6[%dma_wait3A_83, %dma_wait3A_85, %dma_wait3A_86] : memref<4x800x32xf32, #tpu.memory_space<vmem>> -> memref<1x800x32xf32, #tpu.memory_space<vmem>>
      %dma_wait3A_88 = tpu.memref_squeeze %dma_wait3A_87 : memref<1x800x32xf32, #tpu.memory_space<vmem>> -> memref<800x32xf32, #tpu.memory_space<vmem>>
      %dma_wait3A_89 = arith.constant 0 : i32
      %dma_wait3A_90 = tpu.memref_slice %arg5[%dma_wait3A_82, %dma_wait3A_89] : memref<4x800xi32, #tpu.memory_space<vmem>> -> memref<1x800xi32, #tpu.memory_space<vmem>>
      %dma_wait3A_91 = tpu.memref_squeeze %dma_wait3A_90 : memref<1x800xi32, #tpu.memory_space<vmem>> -> memref<800xi32, #tpu.memory_space<vmem>>
      %dma_wait3A_92 = arith.constant 0 : i32
      %dma_wait3A_93 = arith.constant 0 : i32
      %dma_wait3A_94 = tpu.memref_slice %arg3[%dma_wait3A_92, %dma_wait3A_93] : memref<1000000x32xf32, #tpu.memory_space<hbm>> -> memref<1000000x32xf32, #tpu.memory_space<hbm>>
      %dma_wait3A_95 = tpu.memref_slice %arg7[%dma_wait3A_84] : memref<4x!tpu.dma_semaphore, #tpu.memory_space<semaphore_mem>> -> memref<1x!tpu.dma_semaphore, #tpu.memory_space<semaphore_mem>>
      %dma_wait3A_96 = tpu.memref_squeeze %dma_wait3A_95 : memref<1x!tpu.dma_semaphore, #tpu.memory_space<semaphore_mem>> -> memref<!tpu.dma_semaphore, #tpu.memory_space<semaphore_mem>>
      tpu.wait_indirect_dma semaphore(%dma_wait3A_96 : memref<!tpu.dma_semaphore, #tpu.memory_space<semaphore_mem>>) src(%dma_wait3A_94 : memref<1000000x32xf32, #tpu.memory_space<hbm>>) dst(%dma_wait3A_88 : memref<800x32xf32, #tpu.memory_space<vmem>>)
      %mul3A_97 = arith.constant 800 : i32
      %mul3A_98 = arith.muli %add3A_81, %mul3A_97 : i32
      %add3A_99 = arith.addi %mul3A_2, %mul3A_98 : i32
      %dma_start3A_100 = arith.constant 0 : i32
      %dma_start3A_101 = arith.constant 0 : i32
      %dma_start3A_102 = arith.constant 0 : i32
      %dma_start3A_103 = arith.constant 0 : i32
      %dma_start3A_104 = tpu.memref_slice %arg6[%dma_start3A_100, %dma_start3A_102, %dma_start3A_103] : memref<4x800x32xf32, #tpu.memory_space<vmem>> -> memref<1x800x32xf32, #tpu.memory_space<vmem>>
      %dma_start3A_105 = tpu.memref_squeeze %dma_start3A_104 : memref<1x800x32xf32, #tpu.memory_space<vmem>> -> memref<800x32xf32, #tpu.memory_space<vmem>>
      %dma_start3A_106 = arith.constant 0 : i32
      %dma_start3A_107 = tpu.memref_slice %arg4[%add3A_99, %dma_start3A_106] : memref<819200x32xf32, #tpu.memory_space<hbm>> -> memref<800x32xf32, #tpu.memory_space<hbm>>
      %dma_start3A_108 = tpu.memref_slice %arg8[%dma_start3A_101] : memref<4x!tpu.dma_semaphore, #tpu.memory_space<semaphore_mem>> -> memref<1x!tpu.dma_semaphore, #tpu.memory_space<semaphore_mem>>
      %dma_start3A_109 = tpu.memref_squeeze %dma_start3A_108 : memref<1x!tpu.dma_semaphore, #tpu.memory_space<semaphore_mem>> -> memref<!tpu.dma_semaphore, #tpu.memory_space<semaphore_mem>>
      %dma_start3A_110 = arith.constant 0 : i32
      %dma_start3A_111 = tpu.memref_slice %arg4[%add3A_99, %dma_start3A_110] : memref<819200x32xf32, #tpu.memory_space<hbm>> -> memref<800x32xf32, #tpu.memory_space<hbm>>
      %dma_start3A_112 = arith.constant 0 : i32
      %dma_start3A_113 = arith.constant 0 : i32
      %dma_start3A_114 = tpu.memref_slice %arg6[%dma_start3A_100, %dma_start3A_112, %dma_start3A_113] : memref<4x800x32xf32, #tpu.memory_space<vmem>> -> memref<1x800x32xf32, #tpu.memory_space<vmem>>
      %dma_start3A_115 = tpu.memref_squeeze %dma_start3A_114 : memref<1x800x32xf32, #tpu.memory_space<vmem>> -> memref<800x32xf32, #tpu.memory_space<vmem>>
      tpu.enqueue_dma source(%dma_start3A_115 : memref<800x32xf32, #tpu.memory_space<vmem>>) target(%dma_start3A_111 : memref<800x32xf32, #tpu.memory_space<hbm>>) target_semaphore(%dma_start3A_109 : memref<!tpu.dma_semaphore, #tpu.memory_space<semaphore_mem>>)
      %add3A_116 = arith.constant 2 : i32
      %add3A_117 = arith.addi %add3A_81, %add3A_116 : i32
      %ge3A = arith.constant 2 : i32
      %ge3A_118 = arith.cmpi sge, %add3A_81, %ge3A : i32
      %convert_element_type3A = arith.extui %ge3A_118 : i1 to i32
      %cond3A = arith.constant 0 : i32
      %cond3A_119 = arith.cmpi ne, %convert_element_type3A, %cond3A : i32
      scf.if %cond3A_119 {
        %sub3A = arith.constant 2 : i32
        %sub3A_268 = arith.subi %add3A_81, %sub3A : i32
        %mul3A_269 = arith.constant 800 : i32
        %mul3A_270 = arith.muli %sub3A_268, %mul3A_269 : i32
        %add3A_271 = arith.addi %mul3A_2, %mul3A_270 : i32
        %dma_wait3A_272 = arith.constant 2 : i32
        %dma_wait3A_273 = arith.constant 2 : i32
        %dma_wait3A_274 = arith.constant 0 : i32
        %dma_wait3A_275 = arith.constant 0 : i32
        %dma_wait3A_276 = tpu.memref_slice %arg6[%dma_wait3A_272, %dma_wait3A_274, %dma_wait3A_275] : memref<4x800x32xf32, #tpu.memory_space<vmem>> -> memref<1x800x32xf32, #tpu.memory_space<vmem>>
        %dma_wait3A_277 = tpu.memref_squeeze %dma_wait3A_276 : memref<1x800x32xf32, #tpu.memory_space<vmem>> -> memref<800x32xf32, #tpu.memory_space<vmem>>
        %dma_wait3A_278 = arith.constant 0 : i32
        %dma_wait3A_279 = tpu.memref_slice %arg4[%add3A_271, %dma_wait3A_278] : memref<819200x32xf32, #tpu.memory_space<hbm>> -> memref<800x32xf32, #tpu.memory_space<hbm>>
        %dma_wait3A_280 = tpu.memref_slice %arg8[%dma_wait3A_273] : memref<4x!tpu.dma_semaphore, #tpu.memory_space<semaphore_mem>> -> memref<1x!tpu.dma_semaphore, #tpu.memory_space<semaphore_mem>>
        %dma_wait3A_281 = tpu.memref_squeeze %dma_wait3A_280 : memref<1x!tpu.dma_semaphore, #tpu.memory_space<semaphore_mem>> -> memref<!tpu.dma_semaphore, #tpu.memory_space<semaphore_mem>>
        %dma_wait3A_282 = arith.constant 0 : i32
        %dma_wait3A_283 = tpu.memref_slice %arg4[%add3A_271, %dma_wait3A_282] : memref<819200x32xf32, #tpu.memory_space<hbm>> -> memref<800x32xf32, #tpu.memory_space<hbm>>
        %dma_wait3A_284 = arith.constant 0 : i32
        %dma_wait3A_285 = arith.constant 0 : i32
        %dma_wait3A_286 = tpu.memref_slice %arg6[%dma_wait3A_272, %dma_wait3A_284, %dma_wait3A_285] : memref<4x800x32xf32, #tpu.memory_space<vmem>> -> memref<1x800x32xf32, #tpu.memory_space<vmem>>
        %dma_wait3A_287 = tpu.memref_squeeze %dma_wait3A_286 : memref<1x800x32xf32, #tpu.memory_space<vmem>> -> memref<800x32xf32, #tpu.memory_space<vmem>>
        tpu.wait_dma2 semaphore(%dma_wait3A_281 : memref<!tpu.dma_semaphore, #tpu.memory_space<semaphore_mem>>) src(%dma_wait3A_287 : memref<800x32xf32, #tpu.memory_space<vmem>>) dst(%dma_wait3A_283 : memref<800x32xf32, #tpu.memory_space<hbm>>)
      } else {
      }
      %lt3A = arith.constant 32 : i32
      %lt3A_120 = arith.cmpi slt, %add3A_117, %lt3A : i32
      %convert_element_type3A_121 = arith.extui %lt3A_120 : i1 to i32
      %cond3A_122 = arith.constant 0 : i32
      %cond3A_123 = arith.cmpi ne, %convert_element_type3A_121, %cond3A_122 : i32
      scf.if %cond3A_123 {
        %mul3A_268 = arith.constant 800 : i32
        %mul3A_269 = arith.muli %add3A_117, %mul3A_268 : i32
        %add3A_270 = arith.addi %mul3A_2, %mul3A_269 : i32
        %run_scoped3A_271 = arith.constant 2 : i32
        "tpu.region"() ({
          %run_scoped3A_287 = tpu.sem_alloc : memref<!tpu.dma_semaphore, #tpu.memory_space<semaphore_mem>>
          %dma_start3A_288 = arith.constant 0 : i32
          %dma_start3A_289 = tpu.memref_slice %arg5[%run_scoped3A_271, %dma_start3A_288] : memref<4x800xi32, #tpu.memory_space<vmem>> -> memref<1x800xi32, #tpu.memory_space<vmem>>
          %dma_start3A_290 = tpu.memref_squeeze %dma_start3A_289 : memref<1x800xi32, #tpu.memory_space<vmem>> -> memref<800xi32, #tpu.memory_space<vmem>>
          %dma_start3A_291 = tpu.memref_slice %arg2[%add3A_270] : memref<819200xi32, #tpu.memory_space<hbm>> -> memref<800xi32, #tpu.memory_space<hbm>>
          %dma_start3A_292 = arith.constant 0 : i32
          %dma_start3A_293 = tpu.memref_slice %arg5[%run_scoped3A_271, %dma_start3A_292] : memref<4x800xi32, #tpu.memory_space<vmem>> -> memref<1x800xi32, #tpu.memory_space<vmem>>
          %dma_start3A_294 = tpu.memref_squeeze %dma_start3A_293 : memref<1x800xi32, #tpu.memory_space<vmem>> -> memref<800xi32, #tpu.memory_space<vmem>>
          %dma_start3A_295 = tpu.memref_slice %arg2[%add3A_270] : memref<819200xi32, #tpu.memory_space<hbm>> -> memref<800xi32, #tpu.memory_space<hbm>>
          tpu.enqueue_dma source(%dma_start3A_295 : memref<800xi32, #tpu.memory_space<hbm>>) target(%dma_start3A_294 : memref<800xi32, #tpu.memory_space<vmem>>) target_semaphore(%run_scoped3A_287 : memref<!tpu.dma_semaphore, #tpu.memory_space<semaphore_mem>>)
          %dma_wait3A_296 = arith.constant 0 : i32
          %dma_wait3A_297 = tpu.memref_slice %arg5[%run_scoped3A_271, %dma_wait3A_296] : memref<4x800xi32, #tpu.memory_space<vmem>> -> memref<1x800xi32, #tpu.memory_space<vmem>>
          %dma_wait3A_298 = tpu.memref_squeeze %dma_wait3A_297 : memref<1x800xi32, #tpu.memory_space<vmem>> -> memref<800xi32, #tpu.memory_space<vmem>>
          %dma_wait3A_299 = tpu.memref_slice %arg2[%add3A_270] : memref<819200xi32, #tpu.memory_space<hbm>> -> memref<800xi32, #tpu.memory_space<hbm>>
          %dma_wait3A_300 = arith.constant 0 : i32
          %dma_wait3A_301 = tpu.memref_slice %arg5[%run_scoped3A_271, %dma_wait3A_300] : memref<4x800xi32, #tpu.memory_space<vmem>> -> memref<1x800xi32, #tpu.memory_space<vmem>>
          %dma_wait3A_302 = tpu.memref_squeeze %dma_wait3A_301 : memref<1x800xi32, #tpu.memory_space<vmem>> -> memref<800xi32, #tpu.memory_space<vmem>>
          %dma_wait3A_303 = tpu.memref_slice %arg2[%add3A_270] : memref<819200xi32, #tpu.memory_space<hbm>> -> memref<800xi32, #tpu.memory_space<hbm>>
          tpu.wait_dma2 semaphore(%run_scoped3A_287 : memref<!tpu.dma_semaphore, #tpu.memory_space<semaphore_mem>>) src(%dma_wait3A_303 : memref<800xi32, #tpu.memory_space<hbm>>) dst(%dma_wait3A_302 : memref<800xi32, #tpu.memory_space<vmem>>)
          tpu.yield
        }) : () -> ()
        %dma_start3A_272 = arith.constant 2 : i32
        %dma_start3A_273 = arith.constant 2 : i32
        %dma_start3A_274 = arith.constant 2 : i32
        %dma_start3A_275 = arith.constant 0 : i32
        %dma_start3A_276 = arith.constant 0 : i32
        %dma_start3A_277 = tpu.memref_slice %arg6[%dma_start3A_273, %dma_start3A_275, %dma_start3A_276] : memref<4x800x32xf32, #tpu.memory_space<vmem>> -> memref<1x800x32xf32, #tpu.memory_space<vmem>>
        %dma_start3A_278 = tpu.memref_squeeze %dma_start3A_277 : memref<1x800x32xf32, #tpu.memory_space<vmem>> -> memref<800x32xf32, #tpu.memory_space<vmem>>
        %dma_start3A_279 = arith.constant 0 : i32
        %dma_start3A_280 = tpu.memref_slice %arg5[%dma_start3A_272, %dma_start3A_279] : memref<4x800xi32, #tpu.memory_space<vmem>> -> memref<1x800xi32, #tpu.memory_space<vmem>>
        %dma_start3A_281 = tpu.memref_squeeze %dma_start3A_280 : memref<1x800xi32, #tpu.memory_space<vmem>> -> memref<800xi32, #tpu.memory_space<vmem>>
        %dma_start3A_282 = arith.constant 0 : i32
        %dma_start3A_283 = arith.constant 0 : i32
        %dma_start3A_284 = tpu.memref_slice %arg3[%dma_start3A_282, %dma_start3A_283] : memref<1000000x32xf32, #tpu.memory_space<hbm>> -> memref<1000000x32xf32, #tpu.memory_space<hbm>>
        %dma_start3A_285 = tpu.memref_slice %arg7[%dma_start3A_274] : memref<4x!tpu.dma_semaphore, #tpu.memory_space<semaphore_mem>> -> memref<1x!tpu.dma_semaphore, #tpu.memory_space<semaphore_mem>>
        %dma_start3A_286 = tpu.memref_squeeze %dma_start3A_285 : memref<1x!tpu.dma_semaphore, #tpu.memory_space<semaphore_mem>> -> memref<!tpu.dma_semaphore, #tpu.memory_space<semaphore_mem>>
        tpu.enqueue_indirect_dma source(%dma_start3A_284 : memref<1000000x32xf32, #tpu.memory_space<hbm>>) target(%dma_start3A_278 : memref<800x32xf32, #tpu.memory_space<vmem>>) offsets(%dma_start3A_281 : memref<800xi32, #tpu.memory_space<vmem>>) semaphore(%dma_start3A_286 : memref<!tpu.dma_semaphore, #tpu.memory_space<semaphore_mem>>)
      } else {
      }
      %add3A_124 = arith.constant 1 : i32
      %add3A_125 = arith.addi %mul3A_79, %add3A_124 : i32
      %dma_wait3A_126 = arith.constant 1 : i32
      %dma_wait3A_127 = arith.constant 1 : i32
      %dma_wait3A_128 = arith.constant 1 : i32
      %dma_wait3A_129 = arith.constant 0 : i32
      %dma_wait3A_130 = arith.constant 0 : i32
      %dma_wait3A_131 = tpu.memref_slice %arg6[%dma_wait3A_127, %dma_wait3A_129, %dma_wait3A_130] : memref<4x800x32xf32, #tpu.memory_space<vmem>> -> memref<1x800x32xf32, #tpu.memory_space<vmem>>
      %dma_wait3A_132 = tpu.memref_squeeze %dma_wait3A_131 : memref<1x800x32xf32, #tpu.memory_space<vmem>> -> memref<800x32xf32, #tpu.memory_space<vmem>>
      %dma_wait3A_133 = arith.constant 0 : i32
      %dma_wait3A_134 = tpu.memref_slice %arg5[%dma_wait3A_126, %dma_wait3A_133] : memref<4x800xi32, #tpu.memory_space<vmem>> -> memref<1x800xi32, #tpu.memory_space<vmem>>
      %dma_wait3A_135 = tpu.memref_squeeze %dma_wait3A_134 : memref<1x800xi32, #tpu.memory_space<vmem>> -> memref<800xi32, #tpu.memory_space<vmem>>
      %dma_wait3A_136 = arith.constant 0 : i32
      %dma_wait3A_137 = arith.constant 0 : i32
      %dma_wait3A_138 = tpu.memref_slice %arg3[%dma_wait3A_136, %dma_wait3A_137] : memref<1000000x32xf32, #tpu.memory_space<hbm>> -> memref<1000000x32xf32, #tpu.memory_space<hbm>>
      %dma_wait3A_139 = tpu.memref_slice %arg7[%dma_wait3A_128] : memref<4x!tpu.dma_semaphore, #tpu.memory_space<semaphore_mem>> -> memref<1x!tpu.dma_semaphore, #tpu.memory_space<semaphore_mem>>
      %dma_wait3A_140 = tpu.memref_squeeze %dma_wait3A_139 : memref<1x!tpu.dma_semaphore, #tpu.memory_space<semaphore_mem>> -> memref<!tpu.dma_semaphore, #tpu.memory_space<semaphore_mem>>
      tpu.wait_indirect_dma semaphore(%dma_wait3A_140 : memref<!tpu.dma_semaphore, #tpu.memory_space<semaphore_mem>>) src(%dma_wait3A_138 : memref<1000000x32xf32, #tpu.memory_space<hbm>>) dst(%dma_wait3A_132 : memref<800x32xf32, #tpu.memory_space<vmem>>)
      %mul3A_141 = arith.constant 800 : i32
      %mul3A_142 = arith.muli %add3A_125, %mul3A_141 : i32
      %add3A_143 = arith.addi %mul3A_2, %mul3A_142 : i32
      %dma_start3A_144 = arith.constant 1 : i32
      %dma_start3A_145 = arith.constant 1 : i32
      %dma_start3A_146 = arith.constant 0 : i32
      %dma_start3A_147 = arith.constant 0 : i32
      %dma_start3A_148 = tpu.memref_slice %arg6[%dma_start3A_144, %dma_start3A_146, %dma_start3A_147] : memref<4x800x32xf32, #tpu.memory_space<vmem>> -> memref<1x800x32xf32, #tpu.memory_space<vmem>>
      %dma_start3A_149 = tpu.memref_squeeze %dma_start3A_148 : memref<1x800x32xf32, #tpu.memory_space<vmem>> -> memref<800x32xf32, #tpu.memory_space<vmem>>
      %dma_start3A_150 = arith.constant 0 : i32
      %dma_start3A_151 = tpu.memref_slice %arg4[%add3A_143, %dma_start3A_150] : memref<819200x32xf32, #tpu.memory_space<hbm>> -> memref<800x32xf32, #tpu.memory_space<hbm>>
      %dma_start3A_152 = tpu.memref_slice %arg8[%dma_start3A_145] : memref<4x!tpu.dma_semaphore, #tpu.memory_space<semaphore_mem>> -> memref<1x!tpu.dma_semaphore, #tpu.memory_space<semaphore_mem>>
      %dma_start3A_153 = tpu.memref_squeeze %dma_start3A_152 : memref<1x!tpu.dma_semaphore, #tpu.memory_space<semaphore_mem>> -> memref<!tpu.dma_semaphore, #tpu.memory_space<semaphore_mem>>
      %dma_start3A_154 = arith.constant 0 : i32
      %dma_start3A_155 = tpu.memref_slice %arg4[%add3A_143, %dma_start3A_154] : memref<819200x32xf32, #tpu.memory_space<hbm>> -> memref<800x32xf32, #tpu.memory_space<hbm>>
      %dma_start3A_156 = arith.constant 0 : i32
      %dma_start3A_157 = arith.constant 0 : i32
      %dma_start3A_158 = tpu.memref_slice %arg6[%dma_start3A_144, %dma_start3A_156, %dma_start3A_157] : memref<4x800x32xf32, #tpu.memory_space<vmem>> -> memref<1x800x32xf32, #tpu.memory_space<vmem>>
      %dma_start3A_159 = tpu.memref_squeeze %dma_start3A_158 : memref<1x800x32xf32, #tpu.memory_space<vmem>> -> memref<800x32xf32, #tpu.memory_space<vmem>>
      tpu.enqueue_dma source(%dma_start3A_159 : memref<800x32xf32, #tpu.memory_space<vmem>>) target(%dma_start3A_155 : memref<800x32xf32, #tpu.memory_space<hbm>>) target_semaphore(%dma_start3A_153 : memref<!tpu.dma_semaphore, #tpu.memory_space<semaphore_mem>>)
      %add3A_160 = arith.constant 2 : i32
      %add3A_161 = arith.addi %add3A_125, %add3A_160 : i32
      %ge3A_162 = arith.constant 2 : i32
      %ge3A_163 = arith.cmpi sge, %add3A_125, %ge3A_162 : i32
      %convert_element_type3A_164 = arith.extui %ge3A_163 : i1 to i32
      %cond3A_165 = arith.constant 0 : i32
      %cond3A_166 = arith.cmpi ne, %convert_element_type3A_164, %cond3A_165 : i32
      scf.if %cond3A_166 {
        %sub3A = arith.constant 2 : i32
        %sub3A_268 = arith.subi %add3A_125, %sub3A : i32
        %mul3A_269 = arith.constant 800 : i32
        %mul3A_270 = arith.muli %sub3A_268, %mul3A_269 : i32
        %add3A_271 = arith.addi %mul3A_2, %mul3A_270 : i32
        %dma_wait3A_272 = arith.constant 3 : i32
        %dma_wait3A_273 = arith.constant 3 : i32
        %dma_wait3A_274 = arith.constant 0 : i32
        %dma_wait3A_275 = arith.constant 0 : i32
        %dma_wait3A_276 = tpu.memref_slice %arg6[%dma_wait3A_272, %dma_wait3A_274, %dma_wait3A_275] : memref<4x800x32xf32, #tpu.memory_space<vmem>> -> memref<1x800x32xf32, #tpu.memory_space<vmem>>
        %dma_wait3A_277 = tpu.memref_squeeze %dma_wait3A_276 : memref<1x800x32xf32, #tpu.memory_space<vmem>> -> memref<800x32xf32, #tpu.memory_space<vmem>>
        %dma_wait3A_278 = arith.constant 0 : i32
        %dma_wait3A_279 = tpu.memref_slice %arg4[%add3A_271, %dma_wait3A_278] : memref<819200x32xf32, #tpu.memory_space<hbm>> -> memref<800x32xf32, #tpu.memory_space<hbm>>
        %dma_wait3A_280 = tpu.memref_slice %arg8[%dma_wait3A_273] : memref<4x!tpu.dma_semaphore, #tpu.memory_space<semaphore_mem>> -> memref<1x!tpu.dma_semaphore, #tpu.memory_space<semaphore_mem>>
        %dma_wait3A_281 = tpu.memref_squeeze %dma_wait3A_280 : memref<1x!tpu.dma_semaphore, #tpu.memory_space<semaphore_mem>> -> memref<!tpu.dma_semaphore, #tpu.memory_space<semaphore_mem>>
        %dma_wait3A_282 = arith.constant 0 : i32
        %dma_wait3A_283 = tpu.memref_slice %arg4[%add3A_271, %dma_wait3A_282] : memref<819200x32xf32, #tpu.memory_space<hbm>> -> memref<800x32xf32, #tpu.memory_space<hbm>>
        %dma_wait3A_284 = arith.constant 0 : i32
        %dma_wait3A_285 = arith.constant 0 : i32
        %dma_wait3A_286 = tpu.memref_slice %arg6[%dma_wait3A_272, %dma_wait3A_284, %dma_wait3A_285] : memref<4x800x32xf32, #tpu.memory_space<vmem>> -> memref<1x800x32xf32, #tpu.memory_space<vmem>>
        %dma_wait3A_287 = tpu.memref_squeeze %dma_wait3A_286 : memref<1x800x32xf32, #tpu.memory_space<vmem>> -> memref<800x32xf32, #tpu.memory_space<vmem>>
        tpu.wait_dma2 semaphore(%dma_wait3A_281 : memref<!tpu.dma_semaphore, #tpu.memory_space<semaphore_mem>>) src(%dma_wait3A_287 : memref<800x32xf32, #tpu.memory_space<vmem>>) dst(%dma_wait3A_283 : memref<800x32xf32, #tpu.memory_space<hbm>>)
      } else {
      }
      %lt3A_167 = arith.constant 32 : i32
      %lt3A_168 = arith.cmpi slt, %add3A_161, %lt3A_167 : i32
      %convert_element_type3A_169 = arith.extui %lt3A_168 : i1 to i32
      %cond3A_170 = arith.constant 0 : i32
      %cond3A_171 = arith.cmpi ne, %convert_element_type3A_169, %cond3A_170 : i32
      scf.if %cond3A_171 {
        %mul3A_268 = arith.constant 800 : i32
        %mul3A_269 = arith.muli %add3A_161, %mul3A_268 : i32
        %add3A_270 = arith.addi %mul3A_2, %mul3A_269 : i32
        %run_scoped3A_271 = arith.constant 3 : i32
        "tpu.region"() ({
          %run_scoped3A_287 = tpu.sem_alloc : memref<!tpu.dma_semaphore, #tpu.memory_space<semaphore_mem>>
          %dma_start3A_288 = arith.constant 0 : i32
          %dma_start3A_289 = tpu.memref_slice %arg5[%run_scoped3A_271, %dma_start3A_288] : memref<4x800xi32, #tpu.memory_space<vmem>> -> memref<1x800xi32, #tpu.memory_space<vmem>>
          %dma_start3A_290 = tpu.memref_squeeze %dma_start3A_289 : memref<1x800xi32, #tpu.memory_space<vmem>> -> memref<800xi32, #tpu.memory_space<vmem>>
          %dma_start3A_291 = tpu.memref_slice %arg2[%add3A_270] : memref<819200xi32, #tpu.memory_space<hbm>> -> memref<800xi32, #tpu.memory_space<hbm>>
          %dma_start3A_292 = arith.constant 0 : i32
          %dma_start3A_293 = tpu.memref_slice %arg5[%run_scoped3A_271, %dma_start3A_292] : memref<4x800xi32, #tpu.memory_space<vmem>> -> memref<1x800xi32, #tpu.memory_space<vmem>>
          %dma_start3A_294 = tpu.memref_squeeze %dma_start3A_293 : memref<1x800xi32, #tpu.memory_space<vmem>> -> memref<800xi32, #tpu.memory_space<vmem>>
          %dma_start3A_295 = tpu.memref_slice %arg2[%add3A_270] : memref<819200xi32, #tpu.memory_space<hbm>> -> memref<800xi32, #tpu.memory_space<hbm>>
          tpu.enqueue_dma source(%dma_start3A_295 : memref<800xi32, #tpu.memory_space<hbm>>) target(%dma_start3A_294 : memref<800xi32, #tpu.memory_space<vmem>>) target_semaphore(%run_scoped3A_287 : memref<!tpu.dma_semaphore, #tpu.memory_space<semaphore_mem>>)
          %dma_wait3A_296 = arith.constant 0 : i32
          %dma_wait3A_297 = tpu.memref_slice %arg5[%run_scoped3A_271, %dma_wait3A_296] : memref<4x800xi32, #tpu.memory_space<vmem>> -> memref<1x800xi32, #tpu.memory_space<vmem>>
          %dma_wait3A_298 = tpu.memref_squeeze %dma_wait3A_297 : memref<1x800xi32, #tpu.memory_space<vmem>> -> memref<800xi32, #tpu.memory_space<vmem>>
          %dma_wait3A_299 = tpu.memref_slice %arg2[%add3A_270] : memref<819200xi32, #tpu.memory_space<hbm>> -> memref<800xi32, #tpu.memory_space<hbm>>
          %dma_wait3A_300 = arith.constant 0 : i32
          %dma_wait3A_301 = tpu.memref_slice %arg5[%run_scoped3A_271, %dma_wait3A_300] : memref<4x800xi32, #tpu.memory_space<vmem>> -> memref<1x800xi32, #tpu.memory_space<vmem>>
          %dma_wait3A_302 = tpu.memref_squeeze %dma_wait3A_301 : memref<1x800xi32, #tpu.memory_space<vmem>> -> memref<800xi32, #tpu.memory_space<vmem>>
          %dma_wait3A_303 = tpu.memref_slice %arg2[%add3A_270] : memref<819200xi32, #tpu.memory_space<hbm>> -> memref<800xi32, #tpu.memory_space<hbm>>
          tpu.wait_dma2 semaphore(%run_scoped3A_287 : memref<!tpu.dma_semaphore, #tpu.memory_space<semaphore_mem>>) src(%dma_wait3A_303 : memref<800xi32, #tpu.memory_space<hbm>>) dst(%dma_wait3A_302 : memref<800xi32, #tpu.memory_space<vmem>>)
          tpu.yield
        }) : () -> ()
        %dma_start3A_272 = arith.constant 3 : i32
        %dma_start3A_273 = arith.constant 3 : i32
        %dma_start3A_274 = arith.constant 3 : i32
        %dma_start3A_275 = arith.constant 0 : i32
        %dma_start3A_276 = arith.constant 0 : i32
        %dma_start3A_277 = tpu.memref_slice %arg6[%dma_start3A_273, %dma_start3A_275, %dma_start3A_276] : memref<4x800x32xf32, #tpu.memory_space<vmem>> -> memref<1x800x32xf32, #tpu.memory_space<vmem>>
        %dma_start3A_278 = tpu.memref_squeeze %dma_start3A_277 : memref<1x800x32xf32, #tpu.memory_space<vmem>> -> memref<800x32xf32, #tpu.memory_space<vmem>>
        %dma_start3A_279 = arith.constant 0 : i32
        %dma_start3A_280 = tpu.memref_slice %arg5[%dma_start3A_272, %dma_start3A_279] : memref<4x800xi32, #tpu.memory_space<vmem>> -> memref<1x800xi32, #tpu.memory_space<vmem>>
        %dma_start3A_281 = tpu.memref_squeeze %dma_start3A_280 : memref<1x800xi32, #tpu.memory_space<vmem>> -> memref<800xi32, #tpu.memory_space<vmem>>
        %dma_start3A_282 = arith.constant 0 : i32
        %dma_start3A_283 = arith.constant 0 : i32
        %dma_start3A_284 = tpu.memref_slice %arg3[%dma_start3A_282, %dma_start3A_283] : memref<1000000x32xf32, #tpu.memory_space<hbm>> -> memref<1000000x32xf32, #tpu.memory_space<hbm>>
        %dma_start3A_285 = tpu.memref_slice %arg7[%dma_start3A_274] : memref<4x!tpu.dma_semaphore, #tpu.memory_space<semaphore_mem>> -> memref<1x!tpu.dma_semaphore, #tpu.memory_space<semaphore_mem>>
        %dma_start3A_286 = tpu.memref_squeeze %dma_start3A_285 : memref<1x!tpu.dma_semaphore, #tpu.memory_space<semaphore_mem>> -> memref<!tpu.dma_semaphore, #tpu.memory_space<semaphore_mem>>
        tpu.enqueue_indirect_dma source(%dma_start3A_284 : memref<1000000x32xf32, #tpu.memory_space<hbm>>) target(%dma_start3A_278 : memref<800x32xf32, #tpu.memory_space<vmem>>) offsets(%dma_start3A_281 : memref<800xi32, #tpu.memory_space<vmem>>) semaphore(%dma_start3A_286 : memref<!tpu.dma_semaphore, #tpu.memory_space<semaphore_mem>>)
      } else {
      }
      %add3A_172 = arith.constant 2 : i32
      %add3A_173 = arith.addi %mul3A_79, %add3A_172 : i32
      %dma_wait3A_174 = arith.constant 2 : i32
      %dma_wait3A_175 = arith.constant 2 : i32
      %dma_wait3A_176 = arith.constant 2 : i32
      %dma_wait3A_177 = arith.constant 0 : i32
      %dma_wait3A_178 = arith.constant 0 : i32
      %dma_wait3A_179 = tpu.memref_slice %arg6[%dma_wait3A_175, %dma_wait3A_177, %dma_wait3A_178] : memref<4x800x32xf32, #tpu.memory_space<vmem>> -> memref<1x800x32xf32, #tpu.memory_space<vmem>>
      %dma_wait3A_180 = tpu.memref_squeeze %dma_wait3A_179 : memref<1x800x32xf32, #tpu.memory_space<vmem>> -> memref<800x32xf32, #tpu.memory_space<vmem>>
      %dma_wait3A_181 = arith.constant 0 : i32
      %dma_wait3A_182 = tpu.memref_slice %arg5[%dma_wait3A_174, %dma_wait3A_181] : memref<4x800xi32, #tpu.memory_space<vmem>> -> memref<1x800xi32, #tpu.memory_space<vmem>>
      %dma_wait3A_183 = tpu.memref_squeeze %dma_wait3A_182 : memref<1x800xi32, #tpu.memory_space<vmem>> -> memref<800xi32, #tpu.memory_space<vmem>>
      %dma_wait3A_184 = arith.constant 0 : i32
      %dma_wait3A_185 = arith.constant 0 : i32
      %dma_wait3A_186 = tpu.memref_slice %arg3[%dma_wait3A_184, %dma_wait3A_185] : memref<1000000x32xf32, #tpu.memory_space<hbm>> -> memref<1000000x32xf32, #tpu.memory_space<hbm>>
      %dma_wait3A_187 = tpu.memref_slice %arg7[%dma_wait3A_176] : memref<4x!tpu.dma_semaphore, #tpu.memory_space<semaphore_mem>> -> memref<1x!tpu.dma_semaphore, #tpu.memory_space<semaphore_mem>>
      %dma_wait3A_188 = tpu.memref_squeeze %dma_wait3A_187 : memref<1x!tpu.dma_semaphore, #tpu.memory_space<semaphore_mem>> -> memref<!tpu.dma_semaphore, #tpu.memory_space<semaphore_mem>>
      tpu.wait_indirect_dma semaphore(%dma_wait3A_188 : memref<!tpu.dma_semaphore, #tpu.memory_space<semaphore_mem>>) src(%dma_wait3A_186 : memref<1000000x32xf32, #tpu.memory_space<hbm>>) dst(%dma_wait3A_180 : memref<800x32xf32, #tpu.memory_space<vmem>>)
      %mul3A_189 = arith.constant 800 : i32
      %mul3A_190 = arith.muli %add3A_173, %mul3A_189 : i32
      %add3A_191 = arith.addi %mul3A_2, %mul3A_190 : i32
      %dma_start3A_192 = arith.constant 2 : i32
      %dma_start3A_193 = arith.constant 2 : i32
      %dma_start3A_194 = arith.constant 0 : i32
      %dma_start3A_195 = arith.constant 0 : i32
      %dma_start3A_196 = tpu.memref_slice %arg6[%dma_start3A_192, %dma_start3A_194, %dma_start3A_195] : memref<4x800x32xf32, #tpu.memory_space<vmem>> -> memref<1x800x32xf32, #tpu.memory_space<vmem>>
      %dma_start3A_197 = tpu.memref_squeeze %dma_start3A_196 : memref<1x800x32xf32, #tpu.memory_space<vmem>> -> memref<800x32xf32, #tpu.memory_space<vmem>>
      %dma_start3A_198 = arith.constant 0 : i32
      %dma_start3A_199 = tpu.memref_slice %arg4[%add3A_191, %dma_start3A_198] : memref<819200x32xf32, #tpu.memory_space<hbm>> -> memref<800x32xf32, #tpu.memory_space<hbm>>
      %dma_start3A_200 = tpu.memref_slice %arg8[%dma_start3A_193] : memref<4x!tpu.dma_semaphore, #tpu.memory_space<semaphore_mem>> -> memref<1x!tpu.dma_semaphore, #tpu.memory_space<semaphore_mem>>
      %dma_start3A_201 = tpu.memref_squeeze %dma_start3A_200 : memref<1x!tpu.dma_semaphore, #tpu.memory_space<semaphore_mem>> -> memref<!tpu.dma_semaphore, #tpu.memory_space<semaphore_mem>>
      %dma_start3A_202 = arith.constant 0 : i32
      %dma_start3A_203 = tpu.memref_slice %arg4[%add3A_191, %dma_start3A_202] : memref<819200x32xf32, #tpu.memory_space<hbm>> -> memref<800x32xf32, #tpu.memory_space<hbm>>
      %dma_start3A_204 = arith.constant 0 : i32
      %dma_start3A_205 = arith.constant 0 : i32
      %dma_start3A_206 = tpu.memref_slice %arg6[%dma_start3A_192, %dma_start3A_204, %dma_start3A_205] : memref<4x800x32xf32, #tpu.memory_space<vmem>> -> memref<1x800x32xf32, #tpu.memory_space<vmem>>
      %dma_start3A_207 = tpu.memref_squeeze %dma_start3A_206 : memref<1x800x32xf32, #tpu.memory_space<vmem>> -> memref<800x32xf32, #tpu.memory_space<vmem>>
      tpu.enqueue_dma source(%dma_start3A_207 : memref<800x32xf32, #tpu.memory_space<vmem>>) target(%dma_start3A_203 : memref<800x32xf32, #tpu.memory_space<hbm>>) target_semaphore(%dma_start3A_201 : memref<!tpu.dma_semaphore, #tpu.memory_space<semaphore_mem>>)
      %add3A_208 = arith.constant 2 : i32
      %add3A_209 = arith.addi %add3A_173, %add3A_208 : i32
      %ge3A_210 = arith.constant 2 : i32
      %ge3A_211 = arith.cmpi sge, %add3A_173, %ge3A_210 : i32
      %convert_element_type3A_212 = arith.extui %ge3A_211 : i1 to i32
      %cond3A_213 = arith.constant 0 : i32
      %cond3A_214 = arith.cmpi ne, %convert_element_type3A_212, %cond3A_213 : i32
      scf.if %cond3A_214 {
        %sub3A = arith.constant 2 : i32
        %sub3A_268 = arith.subi %add3A_173, %sub3A : i32
        %mul3A_269 = arith.constant 800 : i32
        %mul3A_270 = arith.muli %sub3A_268, %mul3A_269 : i32
        %add3A_271 = arith.addi %mul3A_2, %mul3A_270 : i32
        %dma_wait3A_272 = arith.constant 0 : i32
        %dma_wait3A_273 = arith.constant 0 : i32
        %dma_wait3A_274 = arith.constant 0 : i32
        %dma_wait3A_275 = arith.constant 0 : i32
        %dma_wait3A_276 = tpu.memref_slice %arg6[%dma_wait3A_272, %dma_wait3A_274, %dma_wait3A_275] : memref<4x800x32xf32, #tpu.memory_space<vmem>> -> memref<1x800x32xf32, #tpu.memory_space<vmem>>
        %dma_wait3A_277 = tpu.memref_squeeze %dma_wait3A_276 : memref<1x800x32xf32, #tpu.memory_space<vmem>> -> memref<800x32xf32, #tpu.memory_space<vmem>>
        %dma_wait3A_278 = arith.constant 0 : i32
        %dma_wait3A_279 = tpu.memref_slice %arg4[%add3A_271, %dma_wait3A_278] : memref<819200x32xf32, #tpu.memory_space<hbm>> -> memref<800x32xf32, #tpu.memory_space<hbm>>
        %dma_wait3A_280 = tpu.memref_slice %arg8[%dma_wait3A_273] : memref<4x!tpu.dma_semaphore, #tpu.memory_space<semaphore_mem>> -> memref<1x!tpu.dma_semaphore, #tpu.memory_space<semaphore_mem>>
        %dma_wait3A_281 = tpu.memref_squeeze %dma_wait3A_280 : memref<1x!tpu.dma_semaphore, #tpu.memory_space<semaphore_mem>> -> memref<!tpu.dma_semaphore, #tpu.memory_space<semaphore_mem>>
        %dma_wait3A_282 = arith.constant 0 : i32
        %dma_wait3A_283 = tpu.memref_slice %arg4[%add3A_271, %dma_wait3A_282] : memref<819200x32xf32, #tpu.memory_space<hbm>> -> memref<800x32xf32, #tpu.memory_space<hbm>>
        %dma_wait3A_284 = arith.constant 0 : i32
        %dma_wait3A_285 = arith.constant 0 : i32
        %dma_wait3A_286 = tpu.memref_slice %arg6[%dma_wait3A_272, %dma_wait3A_284, %dma_wait3A_285] : memref<4x800x32xf32, #tpu.memory_space<vmem>> -> memref<1x800x32xf32, #tpu.memory_space<vmem>>
        %dma_wait3A_287 = tpu.memref_squeeze %dma_wait3A_286 : memref<1x800x32xf32, #tpu.memory_space<vmem>> -> memref<800x32xf32, #tpu.memory_space<vmem>>
        tpu.wait_dma2 semaphore(%dma_wait3A_281 : memref<!tpu.dma_semaphore, #tpu.memory_space<semaphore_mem>>) src(%dma_wait3A_287 : memref<800x32xf32, #tpu.memory_space<vmem>>) dst(%dma_wait3A_283 : memref<800x32xf32, #tpu.memory_space<hbm>>)
      } else {
      }
      %lt3A_215 = arith.constant 32 : i32
      %lt3A_216 = arith.cmpi slt, %add3A_209, %lt3A_215 : i32
      %convert_element_type3A_217 = arith.extui %lt3A_216 : i1 to i32
      %cond3A_218 = arith.constant 0 : i32
      %cond3A_219 = arith.cmpi ne, %convert_element_type3A_217, %cond3A_218 : i32
      scf.if %cond3A_219 {
        %mul3A_268 = arith.constant 800 : i32
        %mul3A_269 = arith.muli %add3A_209, %mul3A_268 : i32
        %add3A_270 = arith.addi %mul3A_2, %mul3A_269 : i32
        %run_scoped3A_271 = arith.constant 0 : i32
        "tpu.region"() ({
          %run_scoped3A_287 = tpu.sem_alloc : memref<!tpu.dma_semaphore, #tpu.memory_space<semaphore_mem>>
          %dma_start3A_288 = arith.constant 0 : i32
          %dma_start3A_289 = tpu.memref_slice %arg5[%run_scoped3A_271, %dma_start3A_288] : memref<4x800xi32, #tpu.memory_space<vmem>> -> memref<1x800xi32, #tpu.memory_space<vmem>>
          %dma_start3A_290 = tpu.memref_squeeze %dma_start3A_289 : memref<1x800xi32, #tpu.memory_space<vmem>> -> memref<800xi32, #tpu.memory_space<vmem>>
          %dma_start3A_291 = tpu.memref_slice %arg2[%add3A_270] : memref<819200xi32, #tpu.memory_space<hbm>> -> memref<800xi32, #tpu.memory_space<hbm>>
          %dma_start3A_292 = arith.constant 0 : i32
          %dma_start3A_293 = tpu.memref_slice %arg5[%run_scoped3A_271, %dma_start3A_292] : memref<4x800xi32, #tpu.memory_space<vmem>> -> memref<1x800xi32, #tpu.memory_space<vmem>>
          %dma_start3A_294 = tpu.memref_squeeze %dma_start3A_293 : memref<1x800xi32, #tpu.memory_space<vmem>> -> memref<800xi32, #tpu.memory_space<vmem>>
          %dma_start3A_295 = tpu.memref_slice %arg2[%add3A_270] : memref<819200xi32, #tpu.memory_space<hbm>> -> memref<800xi32, #tpu.memory_space<hbm>>
          tpu.enqueue_dma source(%dma_start3A_295 : memref<800xi32, #tpu.memory_space<hbm>>) target(%dma_start3A_294 : memref<800xi32, #tpu.memory_space<vmem>>) target_semaphore(%run_scoped3A_287 : memref<!tpu.dma_semaphore, #tpu.memory_space<semaphore_mem>>)
          %dma_wait3A_296 = arith.constant 0 : i32
          %dma_wait3A_297 = tpu.memref_slice %arg5[%run_scoped3A_271, %dma_wait3A_296] : memref<4x800xi32, #tpu.memory_space<vmem>> -> memref<1x800xi32, #tpu.memory_space<vmem>>
          %dma_wait3A_298 = tpu.memref_squeeze %dma_wait3A_297 : memref<1x800xi32, #tpu.memory_space<vmem>> -> memref<800xi32, #tpu.memory_space<vmem>>
          %dma_wait3A_299 = tpu.memref_slice %arg2[%add3A_270] : memref<819200xi32, #tpu.memory_space<hbm>> -> memref<800xi32, #tpu.memory_space<hbm>>
          %dma_wait3A_300 = arith.constant 0 : i32
          %dma_wait3A_301 = tpu.memref_slice %arg5[%run_scoped3A_271, %dma_wait3A_300] : memref<4x800xi32, #tpu.memory_space<vmem>> -> memref<1x800xi32, #tpu.memory_space<vmem>>
          %dma_wait3A_302 = tpu.memref_squeeze %dma_wait3A_301 : memref<1x800xi32, #tpu.memory_space<vmem>> -> memref<800xi32, #tpu.memory_space<vmem>>
          %dma_wait3A_303 = tpu.memref_slice %arg2[%add3A_270] : memref<819200xi32, #tpu.memory_space<hbm>> -> memref<800xi32, #tpu.memory_space<hbm>>
          tpu.wait_dma2 semaphore(%run_scoped3A_287 : memref<!tpu.dma_semaphore, #tpu.memory_space<semaphore_mem>>) src(%dma_wait3A_303 : memref<800xi32, #tpu.memory_space<hbm>>) dst(%dma_wait3A_302 : memref<800xi32, #tpu.memory_space<vmem>>)
          tpu.yield
        }) : () -> ()
        %dma_start3A_272 = arith.constant 0 : i32
        %dma_start3A_273 = arith.constant 0 : i32
        %dma_start3A_274 = arith.constant 0 : i32
        %dma_start3A_275 = arith.constant 0 : i32
        %dma_start3A_276 = arith.constant 0 : i32
        %dma_start3A_277 = tpu.memref_slice %arg6[%dma_start3A_273, %dma_start3A_275, %dma_start3A_276] : memref<4x800x32xf32, #tpu.memory_space<vmem>> -> memref<1x800x32xf32, #tpu.memory_space<vmem>>
        %dma_start3A_278 = tpu.memref_squeeze %dma_start3A_277 : memref<1x800x32xf32, #tpu.memory_space<vmem>> -> memref<800x32xf32, #tpu.memory_space<vmem>>
        %dma_start3A_279 = arith.constant 0 : i32
        %dma_start3A_280 = tpu.memref_slice %arg5[%dma_start3A_272, %dma_start3A_279] : memref<4x800xi32, #tpu.memory_space<vmem>> -> memref<1x800xi32, #tpu.memory_space<vmem>>
        %dma_start3A_281 = tpu.memref_squeeze %dma_start3A_280 : memref<1x800xi32, #tpu.memory_space<vmem>> -> memref<800xi32, #tpu.memory_space<vmem>>
        %dma_start3A_282 = arith.constant 0 : i32
        %dma_start3A_283 = arith.constant 0 : i32
        %dma_start3A_284 = tpu.memref_slice %arg3[%dma_start3A_282, %dma_start3A_283] : memref<1000000x32xf32, #tpu.memory_space<hbm>> -> memref<1000000x32xf32, #tpu.memory_space<hbm>>
        %dma_start3A_285 = tpu.memref_slice %arg7[%dma_start3A_274] : memref<4x!tpu.dma_semaphore, #tpu.memory_space<semaphore_mem>> -> memref<1x!tpu.dma_semaphore, #tpu.memory_space<semaphore_mem>>
        %dma_start3A_286 = tpu.memref_squeeze %dma_start3A_285 : memref<1x!tpu.dma_semaphore, #tpu.memory_space<semaphore_mem>> -> memref<!tpu.dma_semaphore, #tpu.memory_space<semaphore_mem>>
        tpu.enqueue_indirect_dma source(%dma_start3A_284 : memref<1000000x32xf32, #tpu.memory_space<hbm>>) target(%dma_start3A_278 : memref<800x32xf32, #tpu.memory_space<vmem>>) offsets(%dma_start3A_281 : memref<800xi32, #tpu.memory_space<vmem>>) semaphore(%dma_start3A_286 : memref<!tpu.dma_semaphore, #tpu.memory_space<semaphore_mem>>)
      } else {
      }
      %add3A_220 = arith.constant 3 : i32
      %add3A_221 = arith.addi %mul3A_79, %add3A_220 : i32
      %dma_wait3A_222 = arith.constant 3 : i32
      %dma_wait3A_223 = arith.constant 3 : i32
      %dma_wait3A_224 = arith.constant 3 : i32
      %dma_wait3A_225 = arith.constant 0 : i32
      %dma_wait3A_226 = arith.constant 0 : i32
      %dma_wait3A_227 = tpu.memref_slice %arg6[%dma_wait3A_223, %dma_wait3A_225, %dma_wait3A_226] : memref<4x800x32xf32, #tpu.memory_space<vmem>> -> memref<1x800x32xf32, #tpu.memory_space<vmem>>
      %dma_wait3A_228 = tpu.memref_squeeze %dma_wait3A_227 : memref<1x800x32xf32, #tpu.memory_space<vmem>> -> memref<800x32xf32, #tpu.memory_space<vmem>>
      %dma_wait3A_229 = arith.constant 0 : i32
      %dma_wait3A_230 = tpu.memref_slice %arg5[%dma_wait3A_222, %dma_wait3A_229] : memref<4x800xi32, #tpu.memory_space<vmem>> -> memref<1x800xi32, #tpu.memory_space<vmem>>
      %dma_wait3A_231 = tpu.memref_squeeze %dma_wait3A_230 : memref<1x800xi32, #tpu.memory_space<vmem>> -> memref<800xi32, #tpu.memory_space<vmem>>
      %dma_wait3A_232 = arith.constant 0 : i32
      %dma_wait3A_233 = arith.constant 0 : i32
      %dma_wait3A_234 = tpu.memref_slice %arg3[%dma_wait3A_232, %dma_wait3A_233] : memref<1000000x32xf32, #tpu.memory_space<hbm>> -> memref<1000000x32xf32, #tpu.memory_space<hbm>>
      %dma_wait3A_235 = tpu.memref_slice %arg7[%dma_wait3A_224] : memref<4x!tpu.dma_semaphore, #tpu.memory_space<semaphore_mem>> -> memref<1x!tpu.dma_semaphore, #tpu.memory_space<semaphore_mem>>
      %dma_wait3A_236 = tpu.memref_squeeze %dma_wait3A_235 : memref<1x!tpu.dma_semaphore, #tpu.memory_space<semaphore_mem>> -> memref<!tpu.dma_semaphore, #tpu.memory_space<semaphore_mem>>
      tpu.wait_indirect_dma semaphore(%dma_wait3A_236 : memref<!tpu.dma_semaphore, #tpu.memory_space<semaphore_mem>>) src(%dma_wait3A_234 : memref<1000000x32xf32, #tpu.memory_space<hbm>>) dst(%dma_wait3A_228 : memref<800x32xf32, #tpu.memory_space<vmem>>)
      %mul3A_237 = arith.constant 800 : i32
      %mul3A_238 = arith.muli %add3A_221, %mul3A_237 : i32
      %add3A_239 = arith.addi %mul3A_2, %mul3A_238 : i32
      %dma_start3A_240 = arith.constant 3 : i32
      %dma_start3A_241 = arith.constant 3 : i32
      %dma_start3A_242 = arith.constant 0 : i32
      %dma_start3A_243 = arith.constant 0 : i32
      %dma_start3A_244 = tpu.memref_slice %arg6[%dma_start3A_240, %dma_start3A_242, %dma_start3A_243] : memref<4x800x32xf32, #tpu.memory_space<vmem>> -> memref<1x800x32xf32, #tpu.memory_space<vmem>>
      %dma_start3A_245 = tpu.memref_squeeze %dma_start3A_244 : memref<1x800x32xf32, #tpu.memory_space<vmem>> -> memref<800x32xf32, #tpu.memory_space<vmem>>
      %dma_start3A_246 = arith.constant 0 : i32
      %dma_start3A_247 = tpu.memref_slice %arg4[%add3A_239, %dma_start3A_246] : memref<819200x32xf32, #tpu.memory_space<hbm>> -> memref<800x32xf32, #tpu.memory_space<hbm>>
      %dma_start3A_248 = tpu.memref_slice %arg8[%dma_start3A_241] : memref<4x!tpu.dma_semaphore, #tpu.memory_space<semaphore_mem>> -> memref<1x!tpu.dma_semaphore, #tpu.memory_space<semaphore_mem>>
      %dma_start3A_249 = tpu.memref_squeeze %dma_start3A_248 : memref<1x!tpu.dma_semaphore, #tpu.memory_space<semaphore_mem>> -> memref<!tpu.dma_semaphore, #tpu.memory_space<semaphore_mem>>
      %dma_start3A_250 = arith.constant 0 : i32
      %dma_start3A_251 = tpu.memref_slice %arg4[%add3A_239, %dma_start3A_250] : memref<819200x32xf32, #tpu.memory_space<hbm>> -> memref<800x32xf32, #tpu.memory_space<hbm>>
      %dma_start3A_252 = arith.constant 0 : i32
      %dma_start3A_253 = arith.constant 0 : i32
      %dma_start3A_254 = tpu.memref_slice %arg6[%dma_start3A_240, %dma_start3A_252, %dma_start3A_253] : memref<4x800x32xf32, #tpu.memory_space<vmem>> -> memref<1x800x32xf32, #tpu.memory_space<vmem>>
      %dma_start3A_255 = tpu.memref_squeeze %dma_start3A_254 : memref<1x800x32xf32, #tpu.memory_space<vmem>> -> memref<800x32xf32, #tpu.memory_space<vmem>>
      tpu.enqueue_dma source(%dma_start3A_255 : memref<800x32xf32, #tpu.memory_space<vmem>>) target(%dma_start3A_251 : memref<800x32xf32, #tpu.memory_space<hbm>>) target_semaphore(%dma_start3A_249 : memref<!tpu.dma_semaphore, #tpu.memory_space<semaphore_mem>>)
      %add3A_256 = arith.constant 2 : i32
      %add3A_257 = arith.addi %add3A_221, %add3A_256 : i32
      %ge3A_258 = arith.constant 2 : i32
      %ge3A_259 = arith.cmpi sge, %add3A_221, %ge3A_258 : i32
      %convert_element_type3A_260 = arith.extui %ge3A_259 : i1 to i32
      %cond3A_261 = arith.constant 0 : i32
      %cond3A_262 = arith.cmpi ne, %convert_element_type3A_260, %cond3A_261 : i32
      scf.if %cond3A_262 {
        %sub3A = arith.constant 2 : i32
        %sub3A_268 = arith.subi %add3A_221, %sub3A : i32
        %mul3A_269 = arith.constant 800 : i32
        %mul3A_270 = arith.muli %sub3A_268, %mul3A_269 : i32
        %add3A_271 = arith.addi %mul3A_2, %mul3A_270 : i32
        %dma_wait3A_272 = arith.constant 1 : i32
        %dma_wait3A_273 = arith.constant 1 : i32
        %dma_wait3A_274 = arith.constant 0 : i32
        %dma_wait3A_275 = arith.constant 0 : i32
        %dma_wait3A_276 = tpu.memref_slice %arg6[%dma_wait3A_272, %dma_wait3A_274, %dma_wait3A_275] : memref<4x800x32xf32, #tpu.memory_space<vmem>> -> memref<1x800x32xf32, #tpu.memory_space<vmem>>
        %dma_wait3A_277 = tpu.memref_squeeze %dma_wait3A_276 : memref<1x800x32xf32, #tpu.memory_space<vmem>> -> memref<800x32xf32, #tpu.memory_space<vmem>>
        %dma_wait3A_278 = arith.constant 0 : i32
        %dma_wait3A_279 = tpu.memref_slice %arg4[%add3A_271, %dma_wait3A_278] : memref<819200x32xf32, #tpu.memory_space<hbm>> -> memref<800x32xf32, #tpu.memory_space<hbm>>
        %dma_wait3A_280 = tpu.memref_slice %arg8[%dma_wait3A_273] : memref<4x!tpu.dma_semaphore, #tpu.memory_space<semaphore_mem>> -> memref<1x!tpu.dma_semaphore, #tpu.memory_space<semaphore_mem>>
        %dma_wait3A_281 = tpu.memref_squeeze %dma_wait3A_280 : memref<1x!tpu.dma_semaphore, #tpu.memory_space<semaphore_mem>> -> memref<!tpu.dma_semaphore, #tpu.memory_space<semaphore_mem>>
        %dma_wait3A_282 = arith.constant 0 : i32
        %dma_wait3A_283 = tpu.memref_slice %arg4[%add3A_271, %dma_wait3A_282] : memref<819200x32xf32, #tpu.memory_space<hbm>> -> memref<800x32xf32, #tpu.memory_space<hbm>>
        %dma_wait3A_284 = arith.constant 0 : i32
        %dma_wait3A_285 = arith.constant 0 : i32
        %dma_wait3A_286 = tpu.memref_slice %arg6[%dma_wait3A_272, %dma_wait3A_284, %dma_wait3A_285] : memref<4x800x32xf32, #tpu.memory_space<vmem>> -> memref<1x800x32xf32, #tpu.memory_space<vmem>>
        %dma_wait3A_287 = tpu.memref_squeeze %dma_wait3A_286 : memref<1x800x32xf32, #tpu.memory_space<vmem>> -> memref<800x32xf32, #tpu.memory_space<vmem>>
        tpu.wait_dma2 semaphore(%dma_wait3A_281 : memref<!tpu.dma_semaphore, #tpu.memory_space<semaphore_mem>>) src(%dma_wait3A_287 : memref<800x32xf32, #tpu.memory_space<vmem>>) dst(%dma_wait3A_283 : memref<800x32xf32, #tpu.memory_space<hbm>>)
      } else {
      }
      %lt3A_263 = arith.constant 32 : i32
      %lt3A_264 = arith.cmpi slt, %add3A_257, %lt3A_263 : i32
      %convert_element_type3A_265 = arith.extui %lt3A_264 : i1 to i32
      %cond3A_266 = arith.constant 0 : i32
      %cond3A_267 = arith.cmpi ne, %convert_element_type3A_265, %cond3A_266 : i32
      scf.if %cond3A_267 {
        %mul3A_268 = arith.constant 800 : i32
        %mul3A_269 = arith.muli %add3A_257, %mul3A_268 : i32
        %add3A_270 = arith.addi %mul3A_2, %mul3A_269 : i32
        %run_scoped3A_271 = arith.constant 1 : i32
        "tpu.region"() ({
          %run_scoped3A_287 = tpu.sem_alloc : memref<!tpu.dma_semaphore, #tpu.memory_space<semaphore_mem>>
          %dma_start3A_288 = arith.constant 0 : i32
          %dma_start3A_289 = tpu.memref_slice %arg5[%run_scoped3A_271, %dma_start3A_288] : memref<4x800xi32, #tpu.memory_space<vmem>> -> memref<1x800xi32, #tpu.memory_space<vmem>>
          %dma_start3A_290 = tpu.memref_squeeze %dma_start3A_289 : memref<1x800xi32, #tpu.memory_space<vmem>> -> memref<800xi32, #tpu.memory_space<vmem>>
          %dma_start3A_291 = tpu.memref_slice %arg2[%add3A_270] : memref<819200xi32, #tpu.memory_space<hbm>> -> memref<800xi32, #tpu.memory_space<hbm>>
          %dma_start3A_292 = arith.constant 0 : i32
          %dma_start3A_293 = tpu.memref_slice %arg5[%run_scoped3A_271, %dma_start3A_292] : memref<4x800xi32, #tpu.memory_space<vmem>> -> memref<1x800xi32, #tpu.memory_space<vmem>>
          %dma_start3A_294 = tpu.memref_squeeze %dma_start3A_293 : memref<1x800xi32, #tpu.memory_space<vmem>> -> memref<800xi32, #tpu.memory_space<vmem>>
          %dma_start3A_295 = tpu.memref_slice %arg2[%add3A_270] : memref<819200xi32, #tpu.memory_space<hbm>> -> memref<800xi32, #tpu.memory_space<hbm>>
          tpu.enqueue_dma source(%dma_start3A_295 : memref<800xi32, #tpu.memory_space<hbm>>) target(%dma_start3A_294 : memref<800xi32, #tpu.memory_space<vmem>>) target_semaphore(%run_scoped3A_287 : memref<!tpu.dma_semaphore, #tpu.memory_space<semaphore_mem>>)
          %dma_wait3A_296 = arith.constant 0 : i32
          %dma_wait3A_297 = tpu.memref_slice %arg5[%run_scoped3A_271, %dma_wait3A_296] : memref<4x800xi32, #tpu.memory_space<vmem>> -> memref<1x800xi32, #tpu.memory_space<vmem>>
          %dma_wait3A_298 = tpu.memref_squeeze %dma_wait3A_297 : memref<1x800xi32, #tpu.memory_space<vmem>> -> memref<800xi32, #tpu.memory_space<vmem>>
          %dma_wait3A_299 = tpu.memref_slice %arg2[%add3A_270] : memref<819200xi32, #tpu.memory_space<hbm>> -> memref<800xi32, #tpu.memory_space<hbm>>
          %dma_wait3A_300 = arith.constant 0 : i32
          %dma_wait3A_301 = tpu.memref_slice %arg5[%run_scoped3A_271, %dma_wait3A_300] : memref<4x800xi32, #tpu.memory_space<vmem>> -> memref<1x800xi32, #tpu.memory_space<vmem>>
          %dma_wait3A_302 = tpu.memref_squeeze %dma_wait3A_301 : memref<1x800xi32, #tpu.memory_space<vmem>> -> memref<800xi32, #tpu.memory_space<vmem>>
          %dma_wait3A_303 = tpu.memref_slice %arg2[%add3A_270] : memref<819200xi32, #tpu.memory_space<hbm>> -> memref<800xi32, #tpu.memory_space<hbm>>
          tpu.wait_dma2 semaphore(%run_scoped3A_287 : memref<!tpu.dma_semaphore, #tpu.memory_space<semaphore_mem>>) src(%dma_wait3A_303 : memref<800xi32, #tpu.memory_space<hbm>>) dst(%dma_wait3A_302 : memref<800xi32, #tpu.memory_space<vmem>>)
          tpu.yield
        }) : () -> ()
        %dma_start3A_272 = arith.constant 1 : i32
        %dma_start3A_273 = arith.constant 1 : i32
        %dma_start3A_274 = arith.constant 1 : i32
        %dma_start3A_275 = arith.constant 0 : i32
        %dma_start3A_276 = arith.constant 0 : i32
        %dma_start3A_277 = tpu.memref_slice %arg6[%dma_start3A_273, %dma_start3A_275, %dma_start3A_276] : memref<4x800x32xf32, #tpu.memory_space<vmem>> -> memref<1x800x32xf32, #tpu.memory_space<vmem>>
        %dma_start3A_278 = tpu.memref_squeeze %dma_start3A_277 : memref<1x800x32xf32, #tpu.memory_space<vmem>> -> memref<800x32xf32, #tpu.memory_space<vmem>>
        %dma_start3A_279 = arith.constant 0 : i32
        %dma_start3A_280 = tpu.memref_slice %arg5[%dma_start3A_272, %dma_start3A_279] : memref<4x800xi32, #tpu.memory_space<vmem>> -> memref<1x800xi32, #tpu.memory_space<vmem>>
        %dma_start3A_281 = tpu.memref_squeeze %dma_start3A_280 : memref<1x800xi32, #tpu.memory_space<vmem>> -> memref<800xi32, #tpu.memory_space<vmem>>
        %dma_start3A_282 = arith.constant 0 : i32
        %dma_start3A_283 = arith.constant 0 : i32
        %dma_start3A_284 = tpu.memref_slice %arg3[%dma_start3A_282, %dma_start3A_283] : memref<1000000x32xf32, #tpu.memory_space<hbm>> -> memref<1000000x32xf32, #tpu.memory_space<hbm>>
        %dma_start3A_285 = tpu.memref_slice %arg7[%dma_start3A_274] : memref<4x!tpu.dma_semaphore, #tpu.memory_space<semaphore_mem>> -> memref<1x!tpu.dma_semaphore, #tpu.memory_space<semaphore_mem>>
        %dma_start3A_286 = tpu.memref_squeeze %dma_start3A_285 : memref<1x!tpu.dma_semaphore, #tpu.memory_space<semaphore_mem>> -> memref<!tpu.dma_semaphore, #tpu.memory_space<semaphore_mem>>
        tpu.enqueue_indirect_dma source(%dma_start3A_284 : memref<1000000x32xf32, #tpu.memory_space<hbm>>) target(%dma_start3A_278 : memref<800x32xf32, #tpu.memory_space<vmem>>) offsets(%dma_start3A_281 : memref<800xi32, #tpu.memory_space<vmem>>) semaphore(%dma_start3A_286 : memref<!tpu.dma_semaphore, #tpu.memory_space<semaphore_mem>>)
      } else {
      }
    }
    %scan3A_41 = arith.constant 8 : i32
    %add3A_42 = arith.constant 24000 : i32
    %add3A_43 = arith.addi %mul3A_2, %add3A_42 : i32
    %dma_wait3A = arith.constant 2 : i32
    %dma_wait3A_44 = arith.constant 2 : i32
    %dma_wait3A_45 = arith.constant 0 : i32
    %dma_wait3A_46 = arith.constant 0 : i32
    %dma_wait3A_47 = tpu.memref_slice %arg6[%dma_wait3A, %dma_wait3A_45, %dma_wait3A_46] : memref<4x800x32xf32, #tpu.memory_space<vmem>> -> memref<1x800x32xf32, #tpu.memory_space<vmem>>
    %dma_wait3A_48 = tpu.memref_squeeze %dma_wait3A_47 : memref<1x800x32xf32, #tpu.memory_space<vmem>> -> memref<800x32xf32, #tpu.memory_space<vmem>>
    %dma_wait3A_49 = arith.constant 0 : i32
    %dma_wait3A_50 = tpu.memref_slice %arg4[%add3A_43, %dma_wait3A_49] : memref<819200x32xf32, #tpu.memory_space<hbm>> -> memref<800x32xf32, #tpu.memory_space<hbm>>
    %dma_wait3A_51 = tpu.memref_slice %arg8[%dma_wait3A_44] : memref<4x!tpu.dma_semaphore, #tpu.memory_space<semaphore_mem>> -> memref<1x!tpu.dma_semaphore, #tpu.memory_space<semaphore_mem>>
    %dma_wait3A_52 = tpu.memref_squeeze %dma_wait3A_51 : memref<1x!tpu.dma_semaphore, #tpu.memory_space<semaphore_mem>> -> memref<!tpu.dma_semaphore, #tpu.memory_space<semaphore_mem>>
    %dma_wait3A_53 = arith.constant 0 : i32
    %dma_wait3A_54 = tpu.memref_slice %arg4[%add3A_43, %dma_wait3A_53] : memref<819200x32xf32, #tpu.memory_space<hbm>> -> memref<800x32xf32, #tpu.memory_space<hbm>>
    %dma_wait3A_55 = arith.constant 0 : i32
    %dma_wait3A_56 = arith.constant 0 : i32
    %dma_wait3A_57 = tpu.memref_slice %arg6[%dma_wait3A, %dma_wait3A_55, %dma_wait3A_56] : memref<4x800x32xf32, #tpu.memory_space<vmem>> -> memref<1x800x32xf32, #tpu.memory_space<vmem>>
    %dma_wait3A_58 = tpu.memref_squeeze %dma_wait3A_57 : memref<1x800x32xf32, #tpu.memory_space<vmem>> -> memref<800x32xf32, #tpu.memory_space<vmem>>
    tpu.wait_dma2 semaphore(%dma_wait3A_52 : memref<!tpu.dma_semaphore, #tpu.memory_space<semaphore_mem>>) src(%dma_wait3A_58 : memref<800x32xf32, #tpu.memory_space<vmem>>) dst(%dma_wait3A_54 : memref<800x32xf32, #tpu.memory_space<hbm>>)
    %add3A_59 = arith.constant 24800 : i32
    %add3A_60 = arith.addi %mul3A_2, %add3A_59 : i32
    %dma_wait3A_61 = arith.constant 3 : i32
    %dma_wait3A_62 = arith.constant 3 : i32
    %dma_wait3A_63 = arith.constant 0 : i32
    %dma_wait3A_64 = arith.constant 0 : i32
    %dma_wait3A_65 = tpu.memref_slice %arg6[%dma_wait3A_61, %dma_wait3A_63, %dma_wait3A_64] : memref<4x800x32xf32, #tpu.memory_space<vmem>> -> memref<1x800x32xf32, #tpu.memory_space<vmem>>
    %dma_wait3A_66 = tpu.memref_squeeze %dma_wait3A_65 : memref<1x800x32xf32, #tpu.memory_space<vmem>> -> memref<800x32xf32, #tpu.memory_space<vmem>>
    %dma_wait3A_67 = arith.constant 0 : i32
    %dma_wait3A_68 = tpu.memref_slice %arg4[%add3A_60, %dma_wait3A_67] : memref<819200x32xf32, #tpu.memory_space<hbm>> -> memref<800x32xf32, #tpu.memory_space<hbm>>
    %dma_wait3A_69 = tpu.memref_slice %arg8[%dma_wait3A_62] : memref<4x!tpu.dma_semaphore, #tpu.memory_space<semaphore_mem>> -> memref<1x!tpu.dma_semaphore, #tpu.memory_space<semaphore_mem>>
    %dma_wait3A_70 = tpu.memref_squeeze %dma_wait3A_69 : memref<1x!tpu.dma_semaphore, #tpu.memory_space<semaphore_mem>> -> memref<!tpu.dma_semaphore, #tpu.memory_space<semaphore_mem>>
    %dma_wait3A_71 = arith.constant 0 : i32
    %dma_wait3A_72 = tpu.memref_slice %arg4[%add3A_60, %dma_wait3A_71] : memref<819200x32xf32, #tpu.memory_space<hbm>> -> memref<800x32xf32, #tpu.memory_space<hbm>>
    %dma_wait3A_73 = arith.constant 0 : i32
    %dma_wait3A_74 = arith.constant 0 : i32
    %dma_wait3A_75 = tpu.memref_slice %arg6[%dma_wait3A_61, %dma_wait3A_73, %dma_wait3A_74] : memref<4x800x32xf32, #tpu.memory_space<vmem>> -> memref<1x800x32xf32, #tpu.memory_space<vmem>>
    %dma_wait3A_76 = tpu.memref_squeeze %dma_wait3A_75 : memref<1x800x32xf32, #tpu.memory_space<vmem>> -> memref<800x32xf32, #tpu.memory_space<vmem>>
    tpu.wait_dma2 semaphore(%dma_wait3A_70 : memref<!tpu.dma_semaphore, #tpu.memory_space<semaphore_mem>>) src(%dma_wait3A_76 : memref<800x32xf32, #tpu.memory_space<vmem>>) dst(%dma_wait3A_72 : memref<800x32xf32, #tpu.memory_space<hbm>>)
    return
  }
}

</mosaic_0001>

<sc_bundles>
// kernel: _gather.3.cloned.1.call-start
scs
__scs_entry_jumppad:
0x0: {  	(pc) =	sbr.rel $0x88, $3  }
0x1: {  	(tag) =	ssettag $0x0;
	lr =	simm.s32 $0x1  }
0x2: {  	[smem:$0x3F9F] =	sst lr;
	_ =	strace $0xD0000000  }
0x3: {  	_ = 	snop  }
0x4: {  	_ = 	snop  }
0x5: {  	_ = 	snop  }
0x6: {  	_ = 	snop  }
0x7: {  	_ = 	snop  }
__scs_overlays_trampoline_lowered:
0x8: {  	[smem:$0x3FAE] =	sst s0  }
0x9: {  	[smem:$0x3FAF] =	sst s1  }
0xa: {  	[smem:$0x3FB0] =	sst s2  }
0xb: {  	[smem:$0x3FB1] =	sst s3  }
0xc: {  	[smem:$0x3FB2] =	sst s4  }
0xd: {  	[smem:$0x3FB3] =	sst s5  }
0xe: {  	[smem:$0x3FB4] =	sst s6  }
0xf: {  	[smem:$0x3FB5] =	sst s7  }
0x10: {  	[smem:$0x3FB6] =	sst s8  }
0x11: {  	[smem:$0x3FB7] =	sst s9;
	s0 =	simm.s32 @!p0 $0x0  }
0x12: {  	s1 =	sld [smem:$0x3F9D];
	s0 =	simm.s32 @p0 $0x1  }
0x13: {  	[smem:$0x3FB8] =	sst s0;
	s0 =	simm.s32 @!p1 $0x0  }
0x14: {  	s2 =	sld [smem:$0x3F9C];
	s0 =	simm.s32 @p1 $0x1  }
0x15: {  	[smem:$0x3FB9] =	sst s0;
	s0 =	simm.s32 @!p2 $0x0  }
0x16: {  	s3 =	sld [smem:$0x3FDB];
	s0 =	simm.s32 @p2 $0x1  }
0x17: {  	s4 =	simm.s32 $0x1BF5;
	[smem:$0x3FBB] =	sst s0  }
0x18: {  	s0 =	sld [smem:$0x3F9E];
	_ =	swait.ge [sflag:s4], $0x0  }
0x19: {  	s7 =	sld [smem:$0x3F9F]  }
0x1a: {  	s8 =	sadd.s32 $0xFFFFE003, lr  }
0x1b: {  	s9 =	sadd.s32 $0xFFFFFEF7, lr;
	s5 =	simm.s32 $0xFFFFFFFF;
	p2 =	slt.u32 s8, $0xFFFFF086  }
0x1c: {  	p1 =	slt.u32 s9, $0xF7A;
	s5 =	simm.s32 @!p2 $0x0  }
0x1d: {  	s5 =	simm.s32 @p1 $0x1;
	p0 =	seq.s32 s7, s2  }
0x1e: {  	s7 =	smul.u32 @!p0 $0xF7A, s2;
	p2 =	seq.s32 @!p0 s5, $0x0  }
0x1f: {  	s9 =	smul.u32 $0xF7A, s1;
	s8 =	simm.s32 @!p0 $0x1BF5;
	p2 =	por !p2, p0  }
0x20: {  	[sflag:s8] =	ssyncset.s32 @!p0 $0xFFFFF086;
	s6 =	sadd.s32 @!p0 s3, s7;
	s7 =	simm.s32 @!p0 $0x108  }
0x21: {  	s3 =	sadd.s32 s3, s9;
	s6 =	sadd.s32 @!p0 $0x88, s6;
	s7 =	simm.s32 @p2 $0x1082  }
0x22: {  	[simem:s7], [sflag:s8] =	dma.local @!p0 [hbm:s6], $0xF7A  }
0x23: {  	s9 =	sor.u32 $0xD0000000, s2;
	s6 =	simm.s32 $0x108;
	_ =	swait.ge @!p0 [sflag:s8], $0x0  }
0x24: {  	s3 =	sadd.s32 $0x88, s3;
	s6 =	simm.s32 @!p1 $0x1082;
	[sflag:s4] =	ssyncset.s32 $0xFFFFF086  }
0x25: {  	[simem:s6], [sflag:s4] =	dma.local [hbm:s3], $0xF7A  }
0x26: {  	[smem:$0x3F9F] =	sst s1;
	(tag) =	ssettag s2;
	_ =	strace s9  }
0x27: {  	s1 =	sld [smem:$0x3FAF]  }
0x28: {  	s2 =	sld [smem:$0x3FB0]  }
0x29: {  	s4 =	sld [smem:$0x3FB2]  }
0x2a: {  	p0 =	seq.s32 s5, $0x0;
	s5 =	sld [smem:$0x3FB3]  }
0x2b: {  	s6 =	sld [smem:$0x3FB4]  }
0x2c: {  	s7 =	sld [smem:$0x3FB5]  }
0x2d: {  	s3 =	simm.s32 $0x108;
	s8 =	sld [smem:$0x3FB6]  }
0x2e: {  	s3 =	simm.s32 @!p0 $0x1082;
	s9 =	sld [smem:$0x3FB7]  }
0x2f: {  	lr =	sadd.s32 s0, s3;
	s0 =	sld [smem:$0x3FAE]  }
0x30: {  	s3 =	sld [smem:$0x3FB1]  }
0x31: {  	[smem:$0x3FBA] =	sst s10  }
0x32: {  	s10 =	sld [smem:$0x3FB8];
	_ =	sdelay $0x3  }
0x33: {  	p0 =	seq.s32 s10, $0x1;
	s10 =	sld [smem:$0x3FBA];
	_ =	sdelay $0x3  }
0x34: {  	[smem:$0x3FBA] =	sst s10  }
0x35: {  	s10 =	sld [smem:$0x3FB9];
	_ =	sdelay $0x3  }
0x36: {  	p1 =	seq.s32 s10, $0x1;
	s10 =	sld [smem:$0x3FBA];
	_ =	sdelay $0x3  }
0x37: {  	[smem:$0x3FBA] =	sst s10  }
0x38: {  	s10 =	sld [smem:$0x3FBB]  }
0x39: {  	_ = 	snop;
	(pc) =	sbr.ind lr, $3  }
0x3a: {  	_ = 	snop  }
0x3b: {  	_ = 	snop  }
0x3c: {  	p2 =	seq.s32 s10, $0x1;
	s10 =	sld [smem:$0x3FBA]  }
0x3d: {  	_ =	shalt  }
0x3e: {  	_ =	shalt  }
0x3f: {  	_ =	shalt  }
0x40: {  	_ =	shalt  }
0x41: {  	_ =	shalt  }
0x42: {  	_ =	shalt  }
0x43: {  	_ =	shalt  }
0x44: {  	_ =	shalt  }
0x45: {  	_ =	shalt  }
0x46: {  	_ =	shalt  }
0x47: {  	_ =	shalt  }
0x48: {  	_ =	shalt  }
0x49: {  	_ =	shalt  }
0x4a: {  	_ =	shalt  }
0x4b: {  	_ =	shalt  }
0x4c: {  	_ =	shalt  }
0x4d: {  	_ =	shalt  }
0x4e: {  	_ =	shalt  }
0x4f: {  	_ =	shalt  }
0x50: {  	_ =	shalt  }
0x51: {  	_ =	shalt  }
0x52: {  	_ =	shalt  }
0x53: {  	_ =	shalt  }
0x54: {  	_ =	shalt  }
0x55: {  	_ =	shalt  }
0x56: {  	_ =	shalt  }
0x57: {  	_ =	shalt  }
0x58: {  	_ =	shalt  }
0x59: {  	_ =	shalt  }
0x5a: {  	_ =	shalt  }
0x5b: {  	_ =	shalt  }
0x5c: {  	_ =	shalt  }
0x5d: {  	_ =	shalt  }
0x5e: {  	_ =	shalt  }
0x5f: {  	_ =	shalt  }
0x60: {  	_ =	shalt  }
0x61: {  	_ =	shalt  }
0x62: {  	_ =	shalt  }
0x63: {  	_ =	shalt  }
0x64: {  	_ =	shalt  }
0x65: {  	_ =	shalt  }
0x66: {  	_ =	shalt  }
0x67: {  	_ =	shalt  }
0x68: {  	_ =	shalt  }
0x69: {  	_ =	shalt  }
0x6a: {  	_ =	shalt  }
0x6b: {  	_ =	shalt  }
0x6c: {  	_ =	shalt  }
0x6d: {  	_ =	shalt  }
0x6e: {  	_ =	shalt  }
0x6f: {  	_ =	shalt  }
0x70: {  	_ =	shalt  }
0x71: {  	_ =	shalt  }
0x72: {  	_ =	shalt  }
0x73: {  	_ =	shalt  }
0x74: {  	_ =	shalt  }
0x75: {  	_ =	shalt  }
0x76: {  	_ =	shalt  }
0x77: {  	_ =	shalt  }
0x78: {  	_ =	shalt  }
0x79: {  	_ =	shalt  }
0x7a: {  	_ =	shalt  }
0x7b: {  	_ =	shalt  }
0x7c: {  	_ =	shalt  }
0x7d: {  	_ =	shalt  }
0x7e: {  	_ =	shalt  }
0x7f: {  	_ =	shalt  }
0x80: {  	_ =	shalt  }
0x81: {  	_ =	shalt  }
0x82: {  	_ =	shalt  }
0x83: {  	_ =	shalt  }
0x84: {  	_ =	shalt  }
0x85: {  	_ =	shalt  }
0x86: {  	_ =	shalt  }
0x87: {  	_ =	shalt  }
.Lfunc_end0:
.L_simem_size_0:
called_computation.1_lowered:
.L_overlay_start_0:
0x88: {  	s2 =	sld [smem:$0x3FD9]  }
0x89: {  	s3 =	sld [smem:$0x3FFE];
	_ =	sdelay $0x1  }
0x8a: {  	s1 =	srdreg.scid  }
0x8b: {  	s0 =	sand.u32 $0x1, s1  }
0x8c: {  	s17 =	sshll.u32 s0, $0xA;
	s2 =	sadd.s32 s3, s2  }
0x8d: {  	s2 =	sadd.s32 s2, s17  }
0x8e: {  	[smem:$0x3FC6] =	sst s2  }
0x8f: {  	_ = 	snop  }
0x90: {  	s2 =	sld [smem:$0x3FC9]  }
0x91: {  	s18 =	sld [smem:$0x3FD0];
	(tm) =	ssettm $0x1  }
0x92: {  	s4 =	sld [smem:$0x3FFB];
	_ =	sdelay $0x3  }
0x93: {  	_ =	strace s4  }
0x94: {  	s4 =	sld [smem:$0x3FFC];
	_ =	sdelay $0x3  }
0x95: {  	_ =	strace s4  }
0x96: {  	s4 =	sld [smem:$0x3FFD];
	_ =	sdelay $0x3  }
0x97: {  	_ =	strace s4  }
0x98: {  	_ =	strace $0x8FFFFFFF  }
0x99: {  	s19 =	sld [smem:$0x3FDB];
	_ =	sdelay $0x1  }
0x9a: {  	s5 =	simm.s32 $_scs_section_size  }
0x9b: {  	s6 =	simm.s32 $_size__tile_overlayer_lowered;
	s7 =	simm.s32 $_tile_overlayer_lowered  }
0x9c: {  	s22 =	simm.s32 $0x1BFF;
	s21 =	sshll.u32 s7, $0x1;
	s4 =	sadd.s32 s5, s19  }
0x9d: {  	s8 =	simm.s32 $0x0;
	s20 =	sshll.u32 s6, $0x1;
	s6 =	sadd.s32 s21, s4  }
0x9e: {  	[timem:s8], [sflag:s22] =	dma.local [hbm:s6], s20  }
0x9f: {  	_ =	swait.ge [sflag:s22], s20  }
0xa0: {  	s5 =	ssub.s32 $0x0, s20;
	[sflag:s22] =	ssyncset.done $0x0  }
0xa1: {  	[sflag:s22] =	ssyncadd.s32 s5;
	_ =	sdelay $0x1  }
0xa2: {  	s23 =	simm.s32 $0x1B8B  }
0xa3: {  	_ =	swait.ge [sflag:s23], $0x1  }
0xa4: {  	[sflag:s23] =	ssyncset.done $0x0  }
0xa5: {  	s25 =	simm.s32 $0x1B8E;
	s24 =	sld [smem:$0x3FFE];
	[sflag:s23] =	ssyncadd.s32 $0xFFFFFFFF  }
0xa6: {  	s26 =	simm.s32 $execute0_lowered;
	[smem:$0x3FD2] =	sst s25  }
0xa7: {  	s6 =	sshll.u32 s26, $0x1;
	_ =	strace $0x80000046;
	[dreg:$0x1] =	wrdreg $0xFFFFFFFF  }
0xa8: {  	s28 =	simm.s32 $_size_execute0_lowered;
	s4 =	sadd.s32 s4, s6;
	[dreg:$0x0] =	wrdreg $0x0  }
0xa9: {  	s6 =	sshll.u32 s28, $0x1;
	[dreg:$0x2] =	wrdreg s4  }
0xaa: {  	[dreg:$0x3] =	wrdreg s6  }
0xab: {  	[dreg:$0x4] =	wrdreg $0xC0  }
0xac: {  	_ =	task [dreg:s8], $0x5FFFF  }
0xad: {  	[dreg:$0x1] =	wrdreg $0xFFFFFFFF  }
0xae: {  	[dreg:$0x0] =	wrdreg $0x60  }
0xaf: {  	[dreg:$0x2] =	wrdreg s2  }
0xb0: {  	[dreg:$0x3] =	wrdreg s24  }
0xb1: {  	[dreg:$0x4] =	wrdreg s18  }
0xb2: {  	[dreg:$0x5] =	wrdreg $0x9  }
0xb3: {  	_ =	task.clear_ibuf [dreg:s8], $0x6FFFF;
	_ =	strace $0x90000046  }
0xb4: {  	s29 =	simm.s32 $0x9;
	_ =	strace $0x80000048  }
0xb5: {  	_ =	swait.ge [sflag:s29], $0x1  }
0xb6: {  	[sflag:s29] =	ssyncadd.s32 $0xFFFFFFFF  }
0xb7: {  	_ =	strace $0x90000048  }
0xb8: {  	_ =	sfence  }
0xb9: {  	s30 =	sld [smem:$0x0];
	_ =	sdelay $0x2  }
0xba: {  	s31 =	sshll.u32 s1, $0xD;
	s1 =	sshrl.u32 s1, $0x2  }
0xbb: {  	s3 =	sand.u32 $0x4000, s31;
	s1 =	sadd.s32 s1, s30  }
0xbc: {  	s0 =	sor.u32 s3, s0;
	s1 =	sshll.u32 s1, $0x11  }
0xbd: {  	s0 =	sor.u32 s1, s0  }
0xbe: {  	s0 =	sadd.s32 $0x8F2B, s0  }
0xbf: {  	[sflag:s0] =	ssyncadd.remote.s32 $0x1  }
0xc0: {  	_ =	sfence.sel $0xFFFF  }
0xc1: {  	[dreg:$0x0] =	wrdreg $0xFFFFFFFF;
	(pc) =	sbr.abs _section_cstart, $3  }
0xc2: {  	[dreg:$0x1] =	wrdreg $0xFFFFFFFF  }
0xc3: {  	_ =	task.clear_ibuf [dreg:s8], $0x2FFFF;
	_ =	strace $0x9FFFFFFF  }
0xc4: {  	(tm) =	ssettm $0x7FFFFFFF  }
0xc5: {  	_ =	shalt  }
tec
execute0_lowered:
.L_overlay_start_1:
0x0: {  	(tag) =	ssettag $0x1  }
0x1: {  	s1 =	rddreg [dreg:$0x0]  }
0x2: {  	s0 =	srdreg.scid;
	s4 =	rddreg [dreg:$0x1]  }
0x3: {  	s11 =	stileid.u32;
	s5 =	rddreg [dreg:$0x2]  }
0x4: {  	s3 =	simm.s32 $0x0;
	s16 =	simm.s32 $0x9;
	s28 =	simm.s32 $0x5  }
0x5: {  	s29 =	simm.s32 $0x4;
	s30 =	simm.s32 $0x6;
	s6 =	smul.u32 $0xC800, s11  }
0x6: {  	s0 =	sand.u32 $0x1, s0;
	s2 =	sshll.u32 s11, $0x1;
	s11 =	smul.u32 $0x32000, s11  }
0x7: {  	[smem:$0x7FF] =	sst s3;
	s4 =	sadd.s32 $0xF42C00, s4;
	s7 =	smul.u32 $0x6400, s0  }
0x8: {  	s2 =	sor.u32 s0, s2;
	s8 =	ssub.s32 $0x2, s0;
	s0 =	smul.u32 $0x19000, s0  }
0x9: {  	_ =	strace $0x80000047;
	s2 =	smul.u32 $0x6400, s2;
	s9 =	sshrl.u32 s8, $0x1  }
0xa: {  	s31 =	sadd.s32 s11, s5;
	s6 =	sadd.s32 s7, s6;
	s17 =	ssub.s32 s8, s9  }
0xb: {  	s15 =	sadd.s32 s0, s31;
	s0 =	simm.s32 $0x0;
	s2 =	sshrl.u32 s2, $0x3  }
0xc: {  	s19 =	sadd.s32 $0x960, s6;
	s7 =	smax.u32 s17, $0x1;
	s21 =	sadd.s32 $0x640, s6  }
0xd: {  	s24 =	sadd.s32 $0xFA0, s6;
	s25 =	sshll.u32 s6, $0x2;
	s6 =	sadd.s32 $0xC80, s6  }
0xe: {  	s17 =	simm.s32 $0x320;
	s18 =	sadd.s32 s1, s2;
	[dreg:$0x6] =	wrdreg s7  }
0xf: {  	s20 =	sshll.u32 s19, $0x2;
	s2 =	sshrl.u32 s19, $0x3;
	s22 =	sshll.u32 s21, $0x2  }
0x10: {  	s7 =	sshrl.u32 s21, $0x3;
	s26 =	sadd.s32 s25, s5;
	[dreg:$0xa] =	wrdreg s6  }
0x11: {  	s19 =	simm.s32 $0x7080;
	s21 =	simm.s32 $0x640;
	s25 =	simm.s32 $0x13880  }
0x12: {  	[dreg:$0x4] =	wrdreg s18;
	s8 =	sadd.s32 $0x64, s18;
	s2 =	sadd.s32 s2, s1  }
0x13: {  	s10 =	sadd.s32 s22, s5;
	s23 =	sadd.s32 s7, s1;
	s14 =	sadd.s32 $0xC80, s26  }
.Ltmp0:
0x14: {  	s18 =	simm.s32 $0xC80;
	[dreg:$0x5] =	wrdreg s8;
	(pc) =	sbr.rel .LBB2_1-.Ltmp0, $4  }
0x15: {  	s22 =	simm.s32 $0xD480;
	s26 =	simm.s32 $0x3;
	[dreg:$0x7] =	wrdreg s2  }
0x16: {  	s8 =	sadd.s32 s20, s5;
	[dreg:$0x8] =	wrdreg s23;
	s2 =	sshrl.u32 s24, $0x3  }
0x17: {  	s20 =	simm.s32 $0x1;
	s23 =	simm.s32 $0x2;
	s2 =	sadd.s32 s2, s1  }
0x18: {  	s24 =	simm.s32 $0x960;
	[dreg:$0x9] =	wrdreg s2;
	s2 =	simm.s32 $0x8  }
.LBB2_4:
0x19: {  	s5 =	simm.s32 $0x7  }
0x1a: {  	_ =	swait.ge [sflag:s5], $0x6400  }
0x1b: {  	[sflag:s5] =	ssyncset.done $0x0  }
0x1c: {  	[sflag:s5] =	ssyncadd.s32 $0xFFFF9C00  }
0x1d: {  	_ =	swait.ge [sflag:s2], $0x6400  }
0x1e: {  	s0 =	sadd.s32 $0x1, s0;
	s31 =	rddreg [dreg:$0x6]  }
0x1f: {  	p0 =	sne.s32 s0, s31  }
.Ltmp1:
0x20: {  	_ = 	snop;
	(pc) =	sbr.rel @!p0 .LBB2_5-.Ltmp1, $3  }
0x21: {  	_ =	sdelay $0x1  }
0x22: {  	[sflag:s2] =	ssyncset.done $0x0  }
0x23: {  	[sflag:s2] =	ssyncadd.s32 $0xFFFF9C00  }
.LBB2_1:
0x24: {  	s5 =	rddreg [dreg:$0x4]  }
0x25: {  	[tilespmem:s3], [sflag:$0x9] =	stream.linear.gather [hbm4b:s5+s3], $0x320, $0x38;
	[tilespmem:$0x19C80] =	vst v63  }
0x26: {  	_ =	swait.ge [sflag:s16], $0x320  }
0x27: {  	[sflag:s16] =	ssyncset.done $0x0  }
0x28: {  	[sflag:s16] =	ssyncadd.s32 $0xFFFFFCE0  }
0x29: {  	[tilespmem:s18], [sflag:$0x1] =	stream.indirect.gather [hbm4b:s4+s17], $0x20, s3, s17, $0xb8;
	[tilespmem:$0x19C80] =	vst v63  }
0x2a: {  	s31 =	rddreg [dreg:$0x5]  }
0x2b: {  	[tilespmem:s17], [sflag:$0x9] =	stream.linear.gather [hbm4b:s31+s3], $0x320, $0x38;
	[tilespmem:$0x19C80] =	vst v63  }
0x2c: {  	_ =	swait.ge [sflag:s16], $0x320  }
0x2d: {  	s13 =	rddreg [dreg:$0xa]  }
0x2e: {  	s12 =	rddreg [dreg:$0x9]  }
0x2f: {  	[sflag:s16] =	ssyncset.done $0x0;
	s11 =	rddreg [dreg:$0x8]  }
0x30: {  	s5 =	simm.s32 $0x0;
	s9 =	rddreg [dreg:$0x7];
	[sflag:s16] =	ssyncadd.s32 $0xFFFFFCE0  }
0x31: {  	[tilespmem:s19], [sflag:$0x2] =	stream.indirect.gather [hbm4b:s4+s17], $0x20, s17, s17, $0xb8;
	[tilespmem:$0x19C80] =	vst v63  }
.LBB2_2:
0x32: {  	_ =	swait.ge [sflag:s20], $0x6400  }
0x33: {  	[sflag:s20] =	ssyncset.done $0x0  }
0x34: {  	s7 =	sadd.s32 s5, s15;
	p0 =	seq.s32 s5, $0x0;
	[sflag:s20] =	ssyncadd.s32 $0xFFFF9C00  }
0x35: {  	[hbm4b:s7+s3] =	stream.linear.scatter [tilespmem:s18], [sflag:$0x5], $0x6400, $0x38;
	[tilespmem:$0x19C80] =	vst v63  }
0x36: {  	s7 =	simm.s32 @!p0 $0x7  }
0x37: {  	_ =	swait.ge @!p0 [sflag:s7], $0x6400  }
0x38: {  	[sflag:s7] =	ssyncset.done @!p0 $0x0  }
0x39: {  	[sflag:s7] =	ssyncadd.s32 @!p0 $0xFFFF9C00  }
0x3a: {  	[tilespmem:s21], [sflag:$0x9] =	stream.linear.gather [hbm4b:s11+s3], $0x320, $0x38;
	[tilespmem:$0x19C80] =	vst v63  }
0x3b: {  	_ =	swait.ge [sflag:s16], $0x320  }
0x3c: {  	[sflag:s16] =	ssyncset.done $0x0  }
0x3d: {  	[sflag:s16] =	ssyncadd.s32 $0xFFFFFCE0  }
0x3e: {  	[tilespmem:s22], [sflag:$0x3] =	stream.indirect.gather [hbm4b:s4+s17], $0x20, s21, s17, $0xb8;
	[tilespmem:$0x19C80] =	vst v63  }
0x3f: {  	_ =	swait.ge [sflag:s23], $0x6400  }
0x40: {  	[sflag:s23] =	ssyncset.done $0x0  }
0x41: {  	s31 =	sadd.s32 s5, s14;
	s7 =	simm.s32 @!p0 $0x8;
	[sflag:s23] =	ssyncadd.s32 $0xFFFF9C00  }
0x42: {  	[hbm4b:s31+s3] =	stream.linear.scatter [tilespmem:s19], [sflag:$0x6], $0x6400, $0x38;
	[tilespmem:$0x19C80] =	vst v63  }
0x43: {  	_ =	swait.ge @!p0 [sflag:s7], $0x6400  }
0x44: {  	[sflag:s7] =	ssyncset.done @!p0 $0x0  }
0x45: {  	[sflag:s7] =	ssyncadd.s32 @!p0 $0xFFFF9C00  }
0x46: {  	[tilespmem:s24], [sflag:$0x9] =	stream.linear.gather [hbm4b:s9+s3], $0x320, $0x38;
	[tilespmem:$0x19C80] =	vst v63  }
0x47: {  	_ =	swait.ge [sflag:s16], $0x320  }
0x48: {  	[sflag:s16] =	ssyncset.done $0x0  }
0x49: {  	[sflag:s16] =	ssyncadd.s32 $0xFFFFFCE0  }
0x4a: {  	[tilespmem:s25], [sflag:$0x4] =	stream.indirect.gather [hbm4b:s4+s17], $0x20, s24, s17, $0xb8;
	[tilespmem:$0x19C80] =	vst v63  }
0x4b: {  	_ =	swait.ge [sflag:s26], $0x6400  }
0x4c: {  	[sflag:s26] =	ssyncset.done $0x0  }
0x4d: {  	s6 =	sadd.s32 s5, s10;
	[sflag:s26] =	ssyncadd.s32 $0xFFFF9C00  }
0x4e: {  	[hbm4b:s6+s3] =	stream.linear.scatter [tilespmem:s22], [sflag:$0x7], $0x6400, $0x38;
	[tilespmem:$0x19C80] =	vst v63  }
0x4f: {  	p0 =	seq.s32 s5, $0x15E00;
	_ =	swait.ge [sflag:s28], $0x6400  }
0x50: {  	s7 =	sshrl.u32 @!p0 s13, $0x3;
	[sflag:s28] =	ssyncset.done $0x0  }
0x51: {  	s7 =	sadd.s32 @!p0 s1, s7;
	s6 =	simm.s32 @!p0 $0x0;
	[sflag:s28] =	ssyncadd.s32 $0xFFFF9C00  }
0x52: {  	[tilespmem:s6], [sflag:$0x9] =	stream.linear.gather @!p0 [hbm4b:s7+s6], $0x320, $0x38;
	[tilespmem:$0x19C80] =	vst v63  }
0x53: {  	s7 =	simm.s32 @!p0 $0x9  }
0x54: {  	_ =	swait.ge @!p0 [sflag:s7], $0x320  }
0x55: {  	[sflag:s7] =	ssyncset.done @!p0 $0x0  }
0x56: {  	s31 =	simm.s32 @!p0 $0xC80;
	[sflag:s7] =	ssyncadd.s32 @!p0 $0xFFFFFCE0;
	s7 =	simm.s32 @!p0 $0x320  }
0x57: {  	[tilespmem:s31], [sflag:$0x1] =	stream.indirect.gather @!p0 [hbm4b:s4+s7], $0x20, s6, s7, $0xb8;
	[tilespmem:$0x19C80] =	vst v63  }
0x58: {  	_ =	swait.ge [sflag:s29], $0x6400  }
0x59: {  	[sflag:s29] =	ssyncset.done $0x0  }
.Ltmp2:
0x5a: {  	s31 =	sadd.s32 s5, s8;
	[sflag:s29] =	ssyncadd.s32 $0xFFFF9C00;
	(pc) =	sbr.rel @p0 .LBB2_4-.Ltmp2, $4  }
0x5b: {  	[hbm4b:s31+s3] =	stream.linear.scatter [tilespmem:s25], [sflag:$0x8], $0x6400, $0x38;
	[tilespmem:$0x19C80] =	vst v63  }
0x5c: {  	_ =	swait.ge [sflag:s30], $0x6400  }
0x5d: {  	[sflag:s30] =	ssyncset.done $0x0  }
0x5e: {  	[sflag:s30] =	ssyncadd.s32 $0xFFFF9C00  }
0x5f: {  	[tilespmem:s17], [sflag:$0x9] =	stream.linear.gather [hbm4b:s12+s3], $0x320, $0x38;
	[tilespmem:$0x19C80] =	vst v63  }
.Ltmp3:
0x60: {  	_ = 	snop;
	(pc) =	sbr.rel .LBB2_2-.Ltmp3, $4  }
0x61: {  	s5 =	sadd.s32 $0x3200, s5;
	_ =	swait.ge [sflag:s16], $0x320  }
0x62: {  	s9 =	sadd.s32 $0x190, s9;
	s11 =	sadd.s32 $0x190, s11;
	[sflag:s16] =	ssyncset.done $0x0  }
0x63: {  	s12 =	sadd.s32 $0x190, s12;
	s13 =	sadd.s32 $0xC80, s13;
	[sflag:s16] =	ssyncadd.s32 $0xFFFFFCE0  }
0x64: {  	[tilespmem:s19], [sflag:$0x2] =	stream.indirect.gather [hbm4b:s4+s17], $0x20, s17, s17, $0xb8;
	[tilespmem:$0x19C80] =	vst v63  }
.LBB2_5:
0x65: {  	_ =	sfence.sel $0x180000  }
0x66: {  	[bflag:$0x0] =	sbarrier.arrive $0xFFFF  }
0x67: {  	_ =	strace $0x90000047  }
0x68: {  	s0 =	stileid.u32;
	[bflag:$0x2] =	sbarrier.arrive $0xFFFF  }
0x69: {  	p0 =	sne.s32 s0, $0x0;
	s0 =	rddreg [dreg:$0x3]  }
0x6a: {  	s0 =	sadd.s32 @!p0 $0x100000, s0  }
0x6b: {  	[sflag:s0] =	ssyncadd.tile.s32 @!p0 $0x1;
	_ =	shalt  }
.Lfunc_end2:
_tile_overlayer_lowered:
.L_overlay_start_2:
0x6c: {  	(tag) =	ssettag $0x2  }
0x6d: {  	s0 =	rddreg [dreg:$0x0];
	s2 =	stileid.u32  }
0x6e: {  	s1 =	rddreg [dreg:$0x1];
	p0 =	sne.s32 s2, $0x0  }
0x6f: {  	s3 =	rddreg [dreg:$0x2];
	[bflag:$0x3] =	sbarrier.arrive $0xFFFF;
	s2 =	simm.s32 @!p0 $0x1C09  }
0x70: {  	[timem:s3], [sflag:s2] =	dma.local @!p0 [hbm:s0], s1  }
0x71: {  	s0 =	simm.s32 @!p0 $0x9  }
0x72: {  	_ =	swait.ge @!p0 [sflag:s0], s1  }
0x73: {  	s1 =	ssub.s32 @!p0 $0x0, s1;
	[sflag:s0] =	ssyncset.done @!p0 $0x0  }
0x74: {  	[sflag:s0] =	ssyncadd.s32 @!p0 s1  }
0x75: {  	[bflag:$0x3] =	sbarrier.arrive $0xFFFF  }
0x76: {  	_ =	shalt  }

// kernel: sparse-core-data-format-call.cloned.1.call-start
scs
called_computation_lowered:
.L_overlay_start_0:
0x0: {  	s2 =	sld [smem:$0x3FD9]  }
0x1: {  	s3 =	sld [smem:$0x3FFE];
	_ =	sdelay $0x1  }
0x2: {  	s1 =	srdreg.scid  }
0x3: {  	s0 =	sand.u32 $0x1, s1  }
0x4: {  	s18 =	sshll.u32 s0, $0xA;
	s2 =	sadd.s32 s3, s2  }
0x5: {  	s2 =	sadd.s32 s2, s18  }
0x6: {  	[smem:$0x3FC6] =	sst s2  }
0x7: {  	_ = 	snop  }
0x8: {  	s2 =	sld [smem:$0x3FD0];
	(tm) =	ssettm $0x1  }
0x9: {  	s19 =	sld [smem:$0x3FFB];
	_ =	sdelay $0x3  }
0xa: {  	_ =	strace s19  }
0xb: {  	s3 =	sld [smem:$0x3FFC];
	_ =	sdelay $0x3  }
0xc: {  	_ =	strace s3  }
0xd: {  	s3 =	sld [smem:$0x3FFD];
	_ =	sdelay $0x3  }
0xe: {  	_ =	strace s3  }
0xf: {  	_ =	strace $0x8FFFFFFF  }
0x10: {  	s20 =	sld [smem:$0x3FDB];
	_ =	sdelay $0x1  }
0x11: {  	s4 =	simm.s32 $_scs_section_size  }
0x12: {  	s5 =	simm.s32 $_size__tile_overlayer_lowered;
	s6 =	simm.s32 $_tile_overlayer_lowered  }
0x13: {  	s23 =	simm.s32 $0x1BFF;
	s22 =	sshll.u32 s6, $0x1;
	s3 =	sadd.s32 s4, s20  }
0x14: {  	s7 =	simm.s32 $0x0;
	s21 =	sshll.u32 s5, $0x1;
	s5 =	sadd.s32 s22, s3  }
0x15: {  	[timem:s7], [sflag:s23] =	dma.local [hbm:s5], s21  }
0x16: {  	_ =	swait.ge [sflag:s23], s21  }
0x17: {  	s4 =	ssub.s32 $0x0, s21;
	[sflag:s23] =	ssyncset.done $0x0  }
0x18: {  	[sflag:s23] =	ssyncadd.s32 s4;
	_ =	sdelay $0x1  }
0x19: {  	s24 =	simm.s32 $0x1B8B  }
0x1a: {  	_ =	swait.ge [sflag:s24], $0x1  }
0x1b: {  	[sflag:s24] =	ssyncset.done $0x0  }
0x1c: {  	s26 =	simm.s32 $0x1B8E;
	s25 =	sld [smem:$0x3FFE];
	[sflag:s24] =	ssyncadd.s32 $0xFFFFFFFF  }
0x1d: {  	s27 =	simm.s32 $execute0_lowered;
	[smem:$0x3FD2] =	sst s26  }
0x1e: {  	s5 =	sshll.u32 s27, $0x1;
	_ =	strace $0x80000049;
	[dreg:$0x1] =	wrdreg $0xFFFFFFFF  }
0x1f: {  	s28 =	simm.s32 $_size_execute0_lowered;
	s3 =	sadd.s32 s3, s5;
	[dreg:$0x0] =	wrdreg $0x0  }
0x20: {  	s5 =	sshll.u32 s28, $0x1;
	[dreg:$0x2] =	wrdreg s3  }
0x21: {  	[dreg:$0x3] =	wrdreg s5  }
0x22: {  	[dreg:$0x4] =	wrdreg $0xC0  }
0x23: {  	_ =	task [dreg:s7], $0x5FFFF  }
0x24: {  	[dreg:$0x1] =	wrdreg $0xFFFFFFFF  }
0x25: {  	[dreg:$0x0] =	wrdreg $0x60  }
0x26: {  	[dreg:$0x2] =	wrdreg s25  }
0x27: {  	[dreg:$0x3] =	wrdreg s2  }
0x28: {  	[dreg:$0x4] =	wrdreg $0x9  }
0x29: {  	_ =	task.clear_ibuf [dreg:s7], $0x5FFFF;
	_ =	strace $0x90000049  }
0x2a: {  	s29 =	simm.s32 $0x9;
	_ =	strace $0x8000004B  }
0x2b: {  	_ =	swait.ge [sflag:s29], $0x1  }
0x2c: {  	[sflag:s29] =	ssyncadd.s32 $0xFFFFFFFF  }
0x2d: {  	_ =	strace $0x9000004B  }
0x2e: {  	_ =	sfence  }
0x2f: {  	s30 =	sld [smem:$0x0];
	_ =	sdelay $0x2  }
0x30: {  	s31 =	sshll.u32 s1, $0xD;
	s1 =	sshrl.u32 s1, $0x2  }
0x31: {  	s3 =	sand.u32 $0x4000, s31;
	s1 =	sadd.s32 s1, s30  }
0x32: {  	s0 =	sor.u32 s3, s0;
	s1 =	sshll.u32 s1, $0x11  }
0x33: {  	s0 =	sor.u32 s1, s0  }
0x34: {  	s0 =	sadd.s32 $0x8F2B, s0  }
0x35: {  	[sflag:s0] =	ssyncadd.remote.s32 $0x1  }
0x36: {  	_ =	sfence.sel $0xFFFF  }
0x37: {  	[dreg:$0x0] =	wrdreg $0xFFFFFFFF;
	(pc) =	sbr.abs _section_cstart, $3  }
0x38: {  	[dreg:$0x1] =	wrdreg $0xFFFFFFFF  }
0x39: {  	_ =	task.clear_ibuf [dreg:s7], $0x2FFFF;
	_ =	strace $0x9FFFFFFF  }
0x3a: {  	(tm) =	ssettm $0x7FFFFFFF  }
0x3b: {  	_ =	shalt  }
tec
execute0_lowered:
.L_overlay_start_1:
0x0: {  	(tag) =	ssettag $0x1  }
0x1: {  	s0 =	srdreg.scid  }
0x2: {  	s1 =	sshll.u32 s0, $0x4  }
0x3: {  	s4 =	rddreg [dreg:$0x0];
	s0 =	stileid.u32;
	s1 =	sand.u32 $0x10, s1  }
0x4: {  	s2 =	rddreg [dreg:$0x1];
	s7 =	simm.s32 $0x1;
	s1 =	sor.u32 s0, s1  }
0x5: {  	s8 =	simm.s32 $0x2;
	s11 =	simm.s32 $0x0;
	s3 =	sshll.u32 s1, $0x7  }
0x6: {  	s10 =	simm.s32 $0x0;
	s4 =	sadd.s32 $0x800, s4;
	s6 =	ssub.s32 $0xC8000, s3  }
.Ltmp0:
0x7: {  	s1 =	rddreg [dreg:$0x2];
	s5 =	sand.u32 $0xF80, s6;
	(pc) =	sbr.rel .LBB1_1-.Ltmp0, $4  }
0x8: {  	_ =	strace $0x8000004A;
	s9 =	smov.u32 s3;
	p0 =	sne.s32 s5, $0x0  }
0x9: {  	s6 =	sshrl.u32 s6, $0xC;
	s5 =	simm.s32 $0x1;
	s7 =	simm.s32 @!p0 $0x0  }
0xa: {  	[sflag:s5] =	ssyncpa.u1 $0x0;
	p0 =	por $0x0, $0x0;
	s6 =	sadd.s32 s7, s6  }
0xb: {  	[sflag:s8] =	ssyncpa.u1 $0x0;
	s8 =	simm.s32 $0x640000;
	s7 =	sadd.s32 $0x1, s6  }
.LBB1_4:
0xc: {  	s14 =	sshll.u32 s11, $0x3  }
0xd: {  	s30 =	sand.u32 $0x7F, s11;
	s15 =	sand.u32 $0xFFFFFC00, s14  }
0xe: {  	s11 =	sor.u32 s30, s15  }
0xf: {  	s15 =	smulhi.u32 $0x51EB851F, s11  }
0x10: {  	s14 =	smulhi.u32 $0x51EB851F, s14  }
0x11: {  	s15 =	sshrl.u32 s15, $0x12  }
0x12: {  	s14 =	sshrl.u32 s14, $0x12;
	s15 =	smul.u32 $0xC8000, s15  }
0x13: {  	s14 =	sand.u32 $0x1F, s14  }
0x14: {  	s14 =	smul.u32 $0x19000, s14;
	s11 =	ssub.s32 s11, s15  }
0x15: {  	s15 =	sand.u32 $0x7, s11  }
0x16: {  	s14 =	sadd.s32 s2, s14;
	s11 =	sshrl.u32 s11, $0x3;
	s15 =	sshll.u32 s15, $0x12  }
0x17: {  	[tilespmem:s13+$0x0 ss:$0x81] =	vst.msk $0xffff, v0;
	s11 =	sadd.s32 s11, s14;
	s31 =	sor.u32 $0x400, s15  }
0x18: {  	[hbm4b:s11+s31] =	stream.strided.scatter [tilespmem:s12], [sflag:$0x2], $0x1000, s8, s31, $0x20;
	[tilespmem:$0x4040] =	vst v63  }
.LBB1_5:
0x19: {  	s13 =	sadd.s32 $0x1000, s9  }
0x1a: {  	p2 =	sgt.s32 s13, $0xC7FFF  }
0x1b: {  	s13 =	smov.u32 @p2 s3;
	p2 =	sne.s32 s10, s7  }
.Ltmp1:
0x1c: {  	p1 =	slt.u32 s10, $0x2;
	(pc) =	sbr.rel @!p2 .LBB1_6-.Ltmp1, $4  }
0x1d: {  	s12 =	simm.s32 @!p1 $0x2  }
0x1e: {  	s14 =	sadd.s32 $0x1, s10;
	_ =	swait.ge @!p1 [sflag:s12], $0x1000  }
0x1f: {  	s11 =	smov.u32 s9;
	p0 =	por !p0, !p0;
	[sflag:s12] =	ssyncset.done @!p1 $0x0  }
0x20: {  	s10 =	smov.u32 s14;
	s9 =	smov.u32 s13;
	[sflag:s12] =	ssyncadd.s32 @!p1 $0xFFFFF000  }
.LBB1_1:
0x21: {  	p1 =	sge.u32 s10, s6  }
0x22: {  	s12 =	sand.u32 @!p1 $0x1FFFFFF, s9  }
0x23: {  	s13 =	smulhi.u32 @!p1 $0x147AE15, s12;
	_ =	sdelay $0x1  }
0x24: {  	s13 =	sshrl.u32 @!p1 s13, $0xC  }
0x25: {  	s13 =	smul.u32 @!p1 $0xC8000, s13;
	_ =	sdelay $0x1  }
0x26: {  	s31 =	sadd.s32 $0xFFFFFFFF, s10;
	s14 =	sxor.u32 @!p1 $0xFFFFFFFF, s10;
	s12 =	ssub.s32 @!p1 s12, s13  }
0x27: {  	s15 =	simm.s32 @!p1 $0x80;
	s14 =	sshll.u32 @!p1 s14, $0xC;
	s12 =	sshll.u32 @!p1 s12, $0x4  }
0x28: {  	s13 =	sand.u32 @!p1 $0x1000, s14;
	s14 =	simm.s32 @!p1 $0x20;
	s12 =	sadd.s32 @!p1 s4, s12  }
0x29: {  	[tilespmem:s13], [sflag:$0x1] =	stream.strided.gather @!p1 [hbm4b:s12+s14], $0x1000, s15, s14, $0x38;
	[tilespmem:$0x4040] =	vst v63  }
0x2a: {  	p1 =	sge.u32 s31, s6  }
.Ltmp2:
0x2b: {  	_ = 	snop;
	(pc) =	sbr.rel @p1 .LBB1_5-.Ltmp2, $1  }
0x2c: {  	_ =	sdelay $0x3  }
0x2d: {  	s12 =	simm.s32 $0x1  }
0x2e: {  	_ =	swait.ge [sflag:s5], $0x1000;
	s12 =	simm.s32 @!p0 $0x0  }
0x2f: {  	[sflag:s5] =	ssyncset.done $0x0;
	s13 =	sshll.u32 s12, $0xC  }
0x30: {  	[sflag:s5] =	ssyncadd.s32 $0xFFFFF000;
	s16 =	sor.u32 $0x10, s13  }
0x31: {  	s12 =	smul.u32 $0x4080, s12;
	v1 =	vld [tilespmem:s16+$0x0]  }
0x32: {  	s30 =	sand.u32 $0x1, s10;
	v0 =	vld [tilespmem:s16+$0xFFFFFFF0]  }
0x33: {  	s13 =	smul.u32 $0x4080, s30;
	s12 =	sshrl.u32 s12, $0x2  }
0x34: {  	s14 =	sor.u32 $0x2000, s12  }
0x35: {  	s31 =	sshrl.u32 s13, $0x2;
	s13 =	sadd.s32 $0x0, s14  }
0x36: {  	s15 =	simm.s32 $0x4;
	s16 =	sadd.s32 $0x20, s16;
	s12 =	sor.u32 $0x2000, s31;
	[tilespmem:s13+$0x810 ss:$0x81] =	vst.msk $0xffff, v1  }
.LBB1_3:
0x37: {  	v1 =	vld [tilespmem:s16+$0x0];
	p1 =	sne.s32 s15, $0x1FC;
	[tilespmem:s13+$0x0 ss:$0x81] =	vst.msk $0xffff, v0;
	s13 =	smov.u32 s15;
	s15 =	sadd.s32 $0x4, s15  }
.Ltmp3:
0x38: {  	v0 =	vld [tilespmem:s16+$0xFFFFFFF0];
	(pc) =	sbr.rel @p1 .LBB1_3-.Ltmp3, $4  }
0x39: {  	_ = 	snop  }
0x3a: {  	s13 =	sshra.s32 s13, $0x2  }
0x3b: {  	s13 =	sadd.s32 s13, s14  }
0x3c: {  	s16 =	sadd.s32 $0x20, s16;
	[tilespmem:s13+$0x810 ss:$0x81] =	vst.msk $0xffff, v1  }
.Ltmp4:
0x3d: {  	_ = 	snop;
	(pc) =	sbr.rel .LBB1_4-.Ltmp4, $1  }
0x3e: {  	_ =	sdelay $0x3  }
.LBB1_6:
0x3f: {  	_ =	sfence.sel $0x180000  }
0x40: {  	s2 =	simm.s32 $0x1;
	[bflag:$0x0] =	sbarrier.arrive $0xFFFF  }
0x41: {  	s31 =	simm.s32 $0x2;
	[sflag:s2] =	ssyncpa.u1 $0x1  }
0x42: {  	[sflag:s31] =	ssyncpa.u1 $0x1  }
0x43: {  	p0 =	sne.s32 s0, $0x0;
	_ =	strace $0x9000004A  }
0x44: {  	s0 =	sadd.s32 @!p0 $0x100000, s1;
	[bflag:$0x2] =	sbarrier.arrive $0xFFFF  }
0x45: {  	[sflag:s0] =	ssyncadd.tile.s32 @!p0 $0x1;
	_ =	shalt  }
.Lfunc_end1:
_tile_overlayer_lowered:
.L_overlay_start_2:
0x46: {  	(tag) =	ssettag $0x2  }
0x47: {  	s0 =	rddreg [dreg:$0x0];
	s2 =	stileid.u32  }
0x48: {  	s1 =	rddreg [dreg:$0x1];
	p0 =	sne.s32 s2, $0x0  }
0x49: {  	s3 =	rddreg [dreg:$0x2];
	[bflag:$0x3] =	sbarrier.arrive $0xFFFF;
	s2 =	simm.s32 @!p0 $0x1C01  }
0x4a: {  	[timem:s3], [sflag:s2] =	dma.local @!p0 [hbm:s0], s1  }
0x4b: {  	s0 =	simm.s32 @!p0 $0x1  }
0x4c: {  	_ =	swait.ge @!p0 [sflag:s0], s1  }
0x4d: {  	s1 =	ssub.s32 @!p0 $0x0, s1;
	[sflag:s0] =	ssyncset.done @!p0 $0x0  }
0x4e: {  	[sflag:s0] =	ssyncadd.s32 @!p0 s1  }
0x4f: {  	[bflag:$0x3] =	sbarrier.arrive $0xFFFF  }
0x50: {  	_ =	shalt  }

</sc_bundles>
